<compile_context>
chip_gen: v7x
topology: tpu7x:2x2x1
jax: 0.10.2.dev20260603
libtpu: 0.0.44.dev20260713+nightly
codegen_flags: <defaults>
</compile_context>

<pallas_src>
import functools

import jax
import jax.numpy as jnp
from jax import lax
from jax.experimental import pallas as pl
from jax.experimental.pallas import tpu as pltpu
from jax.experimental.pallas import tpu_sc as plsc

NUM_CORES = 2
NUM_SUBCORES = 16
NUM_WORKERS = NUM_CORES * NUM_SUBCORES
LANES = 16
N_STREAMS = 4


def _body(n_idx, b_per_w, num_fields,
          idx_hbm, tbl_hbm, bias_hbm, out_hbm,
          idx_v, gath_v, out_v, bias_v, *sems):
    wid = lax.axis_index("s") * NUM_CORES + lax.axis_index("c")
    n_str = len(sems)
    seg = n_idx // n_str
    rows = b_per_w // n_str

    pltpu.sync_copy(idx_hbm.at[wid], idx_v)
    pltpu.sync_copy(bias_hbm, bias_v)

    tbl_sq = tbl_hbm.at[0]
    copies = [
        pltpu.async_copy(
            tbl_sq.at[idx_v.at[pl.ds(q * seg, seg)]],
            gath_v.at[pl.ds(q * seg, seg)],
            sems[q])
        for q in range(n_str)
    ]

    bias_vec = bias_v[...]
    for q in range(n_str):
        copies[q].wait()
        gbase = q * seg

        def reduce_block(jb, _, gbase=gbase, obase=q * rows):
            base = jb * LANES
            acc = bias_vec
            for f in range(num_fields):
                acc = acc + gath_v[pl.ds(gbase + f * rows + base, LANES)]
            out_v[pl.ds(obase + base, LANES)] = acc
            return 0
        lax.fori_loop(0, rows // LANES, reduce_block, 0)

    pltpu.sync_copy(out_v, out_hbm.at[pl.ds(wid * b_per_w, b_per_w)])


def kernel(x, fc_weight, bias, offsets):
    batch, num_fields = x.shape
    total = fc_weight.shape[0]
    b_per_w = batch // NUM_WORKERS
    n_idx = b_per_w * num_fields

    rows = b_per_w // N_STREAMS
    idx = (jnp.transpose(x, (1, 0)).astype(jnp.int32)
           + offsets.astype(jnp.int32)[:, None])
    idx = idx.reshape(num_fields, NUM_WORKERS, N_STREAMS, rows)
    idx = jnp.transpose(idx, (1, 2, 0, 3)).reshape(NUM_WORKERS, n_idx)
    bias16 = jnp.broadcast_to(bias.astype(jnp.float32), (LANES,))

    mesh = plsc.VectorSubcoreMesh(core_axis_name="c", subcore_axis_name="s",
                                  num_cores=NUM_CORES,
                                  num_subcores=NUM_SUBCORES)
    k = pl.kernel(
        functools.partial(_body, n_idx, b_per_w, num_fields),
        out_type=jax.ShapeDtypeStruct((batch,), jnp.float32),
        mesh=mesh,
        compiler_params=pltpu.CompilerParams(use_tc_tiling_on_sc=False),
        scratch_types=[
            pltpu.VMEM((n_idx,), jnp.int32),
            pltpu.VMEM((n_idx,), jnp.float32),
            pltpu.VMEM((b_per_w,), jnp.float32),
            pltpu.VMEM((LANES,), jnp.float32),
        ] + [pltpu.SemaphoreType.DMA] * N_STREAMS,
    )
    padded_total = (total + 1023) // 1024 * 1024
    tbl = fc_weight
    if padded_total != total:
        tbl = jnp.pad(tbl, ((0, padded_total - total), (0, 0)))
    tbl = jnp.transpose(tbl, (1, 0))
    out = k(idx, tbl, bias16)
    return out.reshape(batch, 1)

# --- scband reference (transcript-rebuilt; emitter-appended) ---
"""Pipeline reference for scband-features-linear-82042465288597 (READ-ONLY COPY).

The authoritative reference and input builder live on the scoring server;
editing this copy changes nothing except your own understanding.
"""

import jax, jax.numpy as jnp
import numpy as np

NUM_FIELDS = 26
FIELD_DIM = 100000
TOTAL = NUM_FIELDS * FIELD_DIM
BATCH = 16384


def setup_inputs(seed: int = 0) -> dict:
    key = jax.random.key(seed)
    k1, k2 = jax.random.split(key)
    x = jax.random.randint(k1, (BATCH, NUM_FIELDS), 0, FIELD_DIM, dtype=jnp.int64 if jax.config.jax_enable_x64 else jnp.int32)
    fc_weight = jax.random.normal(k2, (TOTAL, 1), dtype=jnp.float32) * 0.01
    bias = jnp.zeros((1,), dtype=jnp.float32)
    offsets = jnp.arange(NUM_FIELDS, dtype=x.dtype) * FIELD_DIM
    return {"x": x, "fc_weight": fc_weight, "bias": bias, "offsets": offsets}


def reference(x, fc_weight, bias, offsets):
    # x: int[B, F]; add per-field offsets to index a single concatenated table
    idx = x + offsets[None, :]
    emb = jnp.take(fc_weight, idx, axis=0)  # [B, F, 1]
    return jnp.sum(emb, axis=1) + bias  # [B, 1]

if __name__ == "__main__":
    import jax
    _d = setup_inputs()
    print(jax.jit(kernel)(*tuple(_d.values())))

</pallas_src>

<mosaic_0001>
#map = affine_map<(d0, d1) -> (0, 0)>
#map1 = affine_map<(d0, d1) -> (0)>
module attributes {stable_mosaic.version = 14 : i64} {
  func.func @_body(%arg0: i32, %arg1: i32, %arg2: memref<32x13312xi32, #tpu.memory_space<hbm>>, %arg3: memref<1x2600960xf32, #tpu.memory_space<hbm>>, %arg4: memref<16xf32, #tpu.memory_space<hbm>>, %arg5: memref<16384xf32, #tpu.memory_space<hbm>>, %arg6: memref<13312xi32, #tpu.memory_space<vmem>>, %arg7: memref<13312xf32, #tpu.memory_space<vmem>>, %arg8: memref<512xf32, #tpu.memory_space<vmem>>, %arg9: memref<16xf32, #tpu.memory_space<vmem>>, %arg10: memref<!tpu.dma_semaphore, #tpu.memory_space<semaphore_mem>>, %arg11: memref<!tpu.dma_semaphore, #tpu.memory_space<semaphore_mem>>, %arg12: memref<!tpu.dma_semaphore, #tpu.memory_space<semaphore_mem>>, %arg13: memref<!tpu.dma_semaphore, #tpu.memory_space<semaphore_mem>>) attributes {dimension_semantics = [#tpu.dimension_semantics<core_parallel>, #tpu.dimension_semantics<subcore_parallel>], iteration_bounds = array<i64: 2, 16>, scalar_prefetch = 0 : i64, scratch_operands = 8 : i64, tpu.core_type = #tpu.core_type<sc_vector_subcore>, window_params = [{transform_indices = #map}, {transform_indices = #map}, {transform_indices = #map1}, {transform_indices = #map1}]} {
    %mul3A = arith.constant 2 : i32
    %mul3A_0 = arith.muli %arg1, %mul3A : i32
    %add3A = arith.addi %mul3A_0, %arg0 : i32
    "tpu.region"() ({
      %run_scoped3A = tpu.sem_alloc : memref<!tpu.dma_semaphore, #tpu.memory_space<semaphore_mem>>
      %dma_start3A_110 = arith.constant 0 : i32
      %dma_start3A_111 = tpu.memref_slice %arg2[%add3A, %dma_start3A_110] : memref<32x13312xi32, #tpu.memory_space<hbm>> -> memref<1x13312xi32, #tpu.memory_space<hbm>>
      %dma_start3A_112 = tpu.memref_squeeze %dma_start3A_111 : memref<1x13312xi32, #tpu.memory_space<hbm>> -> memref<13312xi32, #tpu.memory_space<hbm>>
      %dma_start3A_113 = arith.constant 0 : i32
      %dma_start3A_114 = tpu.memref_slice %arg2[%add3A, %dma_start3A_113] : memref<32x13312xi32, #tpu.memory_space<hbm>> -> memref<1x13312xi32, #tpu.memory_space<hbm>>
      %dma_start3A_115 = tpu.memref_squeeze %dma_start3A_114 : memref<1x13312xi32, #tpu.memory_space<hbm>> -> memref<13312xi32, #tpu.memory_space<hbm>>
      tpu.enqueue_dma source(%dma_start3A_115 : memref<13312xi32, #tpu.memory_space<hbm>>) target(%arg6 : memref<13312xi32, #tpu.memory_space<vmem>>) target_semaphore(%run_scoped3A : memref<!tpu.dma_semaphore, #tpu.memory_space<semaphore_mem>>)
      %dma_wait3A_116 = arith.constant 0 : i32
      %dma_wait3A_117 = tpu.memref_slice %arg2[%add3A, %dma_wait3A_116] : memref<32x13312xi32, #tpu.memory_space<hbm>> -> memref<1x13312xi32, #tpu.memory_space<hbm>>
      %dma_wait3A_118 = tpu.memref_squeeze %dma_wait3A_117 : memref<1x13312xi32, #tpu.memory_space<hbm>> -> memref<13312xi32, #tpu.memory_space<hbm>>
      %dma_wait3A_119 = arith.constant 0 : i32
      %dma_wait3A_120 = tpu.memref_slice %arg2[%add3A, %dma_wait3A_119] : memref<32x13312xi32, #tpu.memory_space<hbm>> -> memref<1x13312xi32, #tpu.memory_space<hbm>>
      %dma_wait3A_121 = tpu.memref_squeeze %dma_wait3A_120 : memref<1x13312xi32, #tpu.memory_space<hbm>> -> memref<13312xi32, #tpu.memory_space<hbm>>
      tpu.wait_dma2 semaphore(%run_scoped3A : memref<!tpu.dma_semaphore, #tpu.memory_space<semaphore_mem>>) src(%dma_wait3A_121 : memref<13312xi32, #tpu.memory_space<hbm>>) dst(%arg6 : memref<13312xi32, #tpu.memory_space<vmem>>)
      tpu.yield
    }) : () -> ()
    "tpu.region"() ({
      %run_scoped3A = tpu.sem_alloc : memref<!tpu.dma_semaphore, #tpu.memory_space<semaphore_mem>>
      tpu.enqueue_dma source(%arg4 : memref<16xf32, #tpu.memory_space<hbm>>) target(%arg9 : memref<16xf32, #tpu.memory_space<vmem>>) target_semaphore(%run_scoped3A : memref<!tpu.dma_semaphore, #tpu.memory_space<semaphore_mem>>)
      tpu.wait_dma2 semaphore(%run_scoped3A : memref<!tpu.dma_semaphore, #tpu.memory_space<semaphore_mem>>) src(%arg4 : memref<16xf32, #tpu.memory_space<hbm>>) dst(%arg9 : memref<16xf32, #tpu.memory_space<vmem>>)
      tpu.yield
    }) : () -> ()
    %dma_start3A = arith.constant 0 : i32
    %dma_start3A_1 = arith.constant 0 : i32
    %dma_start3A_2 = tpu.memref_slice %arg7[%dma_start3A_1] : memref<13312xf32, #tpu.memory_space<vmem>> -> memref<3328xf32, #tpu.memory_space<vmem>>
    %dma_start3A_3 = arith.constant 0 : i32
    %dma_start3A_4 = tpu.memref_slice %arg6[%dma_start3A_3] : memref<13312xi32, #tpu.memory_space<vmem>> -> memref<3328xi32, #tpu.memory_space<vmem>>
    %dma_start3A_5 = arith.constant 0 : i32
    %dma_start3A_6 = tpu.memref_slice %arg3[%dma_start3A, %dma_start3A_5] : memref<1x2600960xf32, #tpu.memory_space<hbm>> -> memref<1x2600960xf32, #tpu.memory_space<hbm>>
    %dma_start3A_7 = tpu.memref_squeeze %dma_start3A_6 : memref<1x2600960xf32, #tpu.memory_space<hbm>> -> memref<2600960xf32, #tpu.memory_space<hbm>>
    %dma_start3A_8 = arith.constant 0 : i32
    %dma_start3A_9 = tpu.memref_slice %dma_start3A_7[%dma_start3A_8] : memref<2600960xf32, #tpu.memory_space<hbm>> -> memref<2600960xf32, #tpu.memory_space<hbm>>
    tpu.enqueue_indirect_dma source(%dma_start3A_9 : memref<2600960xf32, #tpu.memory_space<hbm>>) target(%dma_start3A_2 : memref<3328xf32, #tpu.memory_space<vmem>>) offsets(%dma_start3A_4 : memref<3328xi32, #tpu.memory_space<vmem>>) semaphore(%arg10 : memref<!tpu.dma_semaphore, #tpu.memory_space<semaphore_mem>>)
    %dma_start3A_10 = arith.constant 0 : i32
    %dma_start3A_11 = arith.constant 3328 : i32
    %dma_start3A_12 = tpu.memref_slice %arg7[%dma_start3A_11] : memref<13312xf32, #tpu.memory_space<vmem>> -> memref<3328xf32, #tpu.memory_space<vmem>>
    %dma_start3A_13 = arith.constant 3328 : i32
    %dma_start3A_14 = tpu.memref_slice %arg6[%dma_start3A_13] : memref<13312xi32, #tpu.memory_space<vmem>> -> memref<3328xi32, #tpu.memory_space<vmem>>
    %dma_start3A_15 = arith.constant 0 : i32
    %dma_start3A_16 = tpu.memref_slice %arg3[%dma_start3A_10, %dma_start3A_15] : memref<1x2600960xf32, #tpu.memory_space<hbm>> -> memref<1x2600960xf32, #tpu.memory_space<hbm>>
    %dma_start3A_17 = tpu.memref_squeeze %dma_start3A_16 : memref<1x2600960xf32, #tpu.memory_space<hbm>> -> memref<2600960xf32, #tpu.memory_space<hbm>>
    %dma_start3A_18 = arith.constant 0 : i32
    %dma_start3A_19 = tpu.memref_slice %dma_start3A_17[%dma_start3A_18] : memref<2600960xf32, #tpu.memory_space<hbm>> -> memref<2600960xf32, #tpu.memory_space<hbm>>
    tpu.enqueue_indirect_dma source(%dma_start3A_19 : memref<2600960xf32, #tpu.memory_space<hbm>>) target(%dma_start3A_12 : memref<3328xf32, #tpu.memory_space<vmem>>) offsets(%dma_start3A_14 : memref<3328xi32, #tpu.memory_space<vmem>>) semaphore(%arg11 : memref<!tpu.dma_semaphore, #tpu.memory_space<semaphore_mem>>)
    %dma_start3A_20 = arith.constant 0 : i32
    %dma_start3A_21 = arith.constant 6656 : i32
    %dma_start3A_22 = tpu.memref_slice %arg7[%dma_start3A_21] : memref<13312xf32, #tpu.memory_space<vmem>> -> memref<3328xf32, #tpu.memory_space<vmem>>
    %dma_start3A_23 = arith.constant 6656 : i32
    %dma_start3A_24 = tpu.memref_slice %arg6[%dma_start3A_23] : memref<13312xi32, #tpu.memory_space<vmem>> -> memref<3328xi32, #tpu.memory_space<vmem>>
    %dma_start3A_25 = arith.constant 0 : i32
    %dma_start3A_26 = tpu.memref_slice %arg3[%dma_start3A_20, %dma_start3A_25] : memref<1x2600960xf32, #tpu.memory_space<hbm>> -> memref<1x2600960xf32, #tpu.memory_space<hbm>>
    %dma_start3A_27 = tpu.memref_squeeze %dma_start3A_26 : memref<1x2600960xf32, #tpu.memory_space<hbm>> -> memref<2600960xf32, #tpu.memory_space<hbm>>
    %dma_start3A_28 = arith.constant 0 : i32
    %dma_start3A_29 = tpu.memref_slice %dma_start3A_27[%dma_start3A_28] : memref<2600960xf32, #tpu.memory_space<hbm>> -> memref<2600960xf32, #tpu.memory_space<hbm>>
    tpu.enqueue_indirect_dma source(%dma_start3A_29 : memref<2600960xf32, #tpu.memory_space<hbm>>) target(%dma_start3A_22 : memref<3328xf32, #tpu.memory_space<vmem>>) offsets(%dma_start3A_24 : memref<3328xi32, #tpu.memory_space<vmem>>) semaphore(%arg12 : memref<!tpu.dma_semaphore, #tpu.memory_space<semaphore_mem>>)
    %dma_start3A_30 = arith.constant 0 : i32
    %dma_start3A_31 = arith.constant 9984 : i32
    %dma_start3A_32 = tpu.memref_slice %arg7[%dma_start3A_31] : memref<13312xf32, #tpu.memory_space<vmem>> -> memref<3328xf32, #tpu.memory_space<vmem>>
    %dma_start3A_33 = arith.constant 9984 : i32
    %dma_start3A_34 = tpu.memref_slice %arg6[%dma_start3A_33] : memref<13312xi32, #tpu.memory_space<vmem>> -> memref<3328xi32, #tpu.memory_space<vmem>>
    %dma_start3A_35 = arith.constant 0 : i32
    %dma_start3A_36 = tpu.memref_slice %arg3[%dma_start3A_30, %dma_start3A_35] : memref<1x2600960xf32, #tpu.memory_space<hbm>> -> memref<1x2600960xf32, #tpu.memory_space<hbm>>
    %dma_start3A_37 = tpu.memref_squeeze %dma_start3A_36 : memref<1x2600960xf32, #tpu.memory_space<hbm>> -> memref<2600960xf32, #tpu.memory_space<hbm>>
    %dma_start3A_38 = arith.constant 0 : i32
    %dma_start3A_39 = tpu.memref_slice %dma_start3A_37[%dma_start3A_38] : memref<2600960xf32, #tpu.memory_space<hbm>> -> memref<2600960xf32, #tpu.memory_space<hbm>>
    tpu.enqueue_indirect_dma source(%dma_start3A_39 : memref<2600960xf32, #tpu.memory_space<hbm>>) target(%dma_start3A_32 : memref<3328xf32, #tpu.memory_space<vmem>>) offsets(%dma_start3A_34 : memref<3328xi32, #tpu.memory_space<vmem>>) semaphore(%arg13 : memref<!tpu.dma_semaphore, #tpu.memory_space<semaphore_mem>>)
    %get3A = arith.constant 0 : index
    %get3A_40 = tpu.vector_load %arg9[%get3A] {strides = array<i32>} : memref<16xf32, #tpu.memory_space<vmem>>, vector<16xf32>,
    %get3A_41 = vector.shape_cast %get3A_40 : vector<16xf32> to vector<16xf32>
    %dma_wait3A = arith.constant 0 : i32
    %dma_wait3A_42 = arith.constant 0 : i32
    %dma_wait3A_43 = tpu.memref_slice %arg7[%dma_wait3A_42] : memref<13312xf32, #tpu.memory_space<vmem>> -> memref<3328xf32, #tpu.memory_space<vmem>>
    %dma_wait3A_44 = arith.constant 0 : i32
    %dma_wait3A_45 = tpu.memref_slice %arg6[%dma_wait3A_44] : memref<13312xi32, #tpu.memory_space<vmem>> -> memref<3328xi32, #tpu.memory_space<vmem>>
    %dma_wait3A_46 = arith.constant 0 : i32
    %dma_wait3A_47 = tpu.memref_slice %arg3[%dma_wait3A, %dma_wait3A_46] : memref<1x2600960xf32, #tpu.memory_space<hbm>> -> memref<1x2600960xf32, #tpu.memory_space<hbm>>
    %dma_wait3A_48 = tpu.memref_squeeze %dma_wait3A_47 : memref<1x2600960xf32, #tpu.memory_space<hbm>> -> memref<2600960xf32, #tpu.memory_space<hbm>>
    %dma_wait3A_49 = arith.constant 0 : i32
    %dma_wait3A_50 = tpu.memref_slice %dma_wait3A_48[%dma_wait3A_49] : memref<2600960xf32, #tpu.memory_space<hbm>> -> memref<2600960xf32, #tpu.memory_space<hbm>>
    tpu.wait_indirect_dma semaphore(%arg10 : memref<!tpu.dma_semaphore, #tpu.memory_space<semaphore_mem>>) src(%dma_wait3A_50 : memref<2600960xf32, #tpu.memory_space<hbm>>) dst(%dma_wait3A_43 : memref<3328xf32, #tpu.memory_space<vmem>>)
    %scan3A = arith.constant 0 : i32
    %scan3A_51 = arith.constant 0 : i32
    %scan3A_52 = arith.constant 8 : i32
    %scan3A_53 = arith.addi %scan3A_51, %scan3A_52 : i32
    %scan3A_54 = arith.constant 1 : i32
    %scan3A_55 = scf.for %scan3A_110 = %scan3A_51 to %scan3A_53 step %scan3A_54 iter_args(%scan3A_111 = %scan3A) -> (i32)  : i32 {
      %mul3A_112 = arith.constant 16 : i32
      %mul3A_113 = arith.muli %scan3A_110, %mul3A_112 : i32
      %add3A_114 = arith.constant 0 : i32
      %add3A_115 = arith.addi %add3A_114, %mul3A_113 : i32
      %get3A_116 = arith.index_cast %add3A_115 : i32 to index
      %get3A_117 = tpu.vector_load %arg7[%get3A_116] {strides = array<i32>} : memref<13312xf32, #tpu.memory_space<vmem>>, vector<16xf32>,
      %get3A_118 = vector.shape_cast %get3A_117 : vector<16xf32> to vector<16xf32>
      %add3A_119 = arith.addf %get3A_41, %get3A_118 : vector<16xf32>
      %add3A_120 = arith.constant 128 : i32
      %add3A_121 = arith.addi %add3A_120, %mul3A_113 : i32
      %get3A_122 = arith.index_cast %add3A_121 : i32 to index
      %get3A_123 = tpu.vector_load %arg7[%get3A_122] {strides = array<i32>} : memref<13312xf32, #tpu.memory_space<vmem>>, vector<16xf32>,
      %get3A_124 = vector.shape_cast %get3A_123 : vector<16xf32> to vector<16xf32>
      %add3A_125 = arith.addf %add3A_119, %get3A_124 : vector<16xf32>
      %add3A_126 = arith.constant 256 : i32
      %add3A_127 = arith.addi %add3A_126, %mul3A_113 : i32
      %get3A_128 = arith.index_cast %add3A_127 : i32 to index
      %get3A_129 = tpu.vector_load %arg7[%get3A_128] {strides = array<i32>} : memref<13312xf32, #tpu.memory_space<vmem>>, vector<16xf32>,
      %get3A_130 = vector.shape_cast %get3A_129 : vector<16xf32> to vector<16xf32>
      %add3A_131 = arith.addf %add3A_125, %get3A_130 : vector<16xf32>
      %add3A_132 = arith.constant 384 : i32
      %add3A_133 = arith.addi %add3A_132, %mul3A_113 : i32
      %get3A_134 = arith.index_cast %add3A_133 : i32 to index
      %get3A_135 = tpu.vector_load %arg7[%get3A_134] {strides = array<i32>} : memref<13312xf32, #tpu.memory_space<vmem>>, vector<16xf32>,
      %get3A_136 = vector.shape_cast %get3A_135 : vector<16xf32> to vector<16xf32>
      %add3A_137 = arith.addf %add3A_131, %get3A_136 : vector<16xf32>
      %add3A_138 = arith.constant 512 : i32
      %add3A_139 = arith.addi %add3A_138, %mul3A_113 : i32
      %get3A_140 = arith.index_cast %add3A_139 : i32 to index
      %get3A_141 = tpu.vector_load %arg7[%get3A_140] {strides = array<i32>} : memref<13312xf32, #tpu.memory_space<vmem>>, vector<16xf32>,
      %get3A_142 = vector.shape_cast %get3A_141 : vector<16xf32> to vector<16xf32>
      %add3A_143 = arith.addf %add3A_137, %get3A_142 : vector<16xf32>
      %add3A_144 = arith.constant 640 : i32
      %add3A_145 = arith.addi %add3A_144, %mul3A_113 : i32
      %get3A_146 = arith.index_cast %add3A_145 : i32 to index
      %get3A_147 = tpu.vector_load %arg7[%get3A_146] {strides = array<i32>} : memref<13312xf32, #tpu.memory_space<vmem>>, vector<16xf32>,
      %get3A_148 = vector.shape_cast %get3A_147 : vector<16xf32> to vector<16xf32>
      %add3A_149 = arith.addf %add3A_143, %get3A_148 : vector<16xf32>
      %add3A_150 = arith.constant 768 : i32
      %add3A_151 = arith.addi %add3A_150, %mul3A_113 : i32
      %get3A_152 = arith.index_cast %add3A_151 : i32 to index
      %get3A_153 = tpu.vector_load %arg7[%get3A_152] {strides = array<i32>} : memref<13312xf32, #tpu.memory_space<vmem>>, vector<16xf32>,
      %get3A_154 = vector.shape_cast %get3A_153 : vector<16xf32> to vector<16xf32>
      %add3A_155 = arith.addf %add3A_149, %get3A_154 : vector<16xf32>
      %add3A_156 = arith.constant 896 : i32
      %add3A_157 = arith.addi %add3A_156, %mul3A_113 : i32
      %get3A_158 = arith.index_cast %add3A_157 : i32 to index
      %get3A_159 = tpu.vector_load %arg7[%get3A_158] {strides = array<i32>} : memref<13312xf32, #tpu.memory_space<vmem>>, vector<16xf32>,
      %get3A_160 = vector.shape_cast %get3A_159 : vector<16xf32> to vector<16xf32>
      %add3A_161 = arith.addf %add3A_155, %get3A_160 : vector<16xf32>
      %add3A_162 = arith.constant 1024 : i32
      %add3A_163 = arith.addi %add3A_162, %mul3A_113 : i32
      %get3A_164 = arith.index_cast %add3A_163 : i32 to index
      %get3A_165 = tpu.vector_load %arg7[%get3A_164] {strides = array<i32>} : memref<13312xf32, #tpu.memory_space<vmem>>, vector<16xf32>,
      %get3A_166 = vector.shape_cast %get3A_165 : vector<16xf32> to vector<16xf32>
      %add3A_167 = arith.addf %add3A_161, %get3A_166 : vector<16xf32>
      %add3A_168 = arith.constant 1152 : i32
      %add3A_169 = arith.addi %add3A_168, %mul3A_113 : i32
      %get3A_170 = arith.index_cast %add3A_169 : i32 to index
      %get3A_171 = tpu.vector_load %arg7[%get3A_170] {strides = array<i32>} : memref<13312xf32, #tpu.memory_space<vmem>>, vector<16xf32>,
      %get3A_172 = vector.shape_cast %get3A_171 : vector<16xf32> to vector<16xf32>
      %add3A_173 = arith.addf %add3A_167, %get3A_172 : vector<16xf32>
      %add3A_174 = arith.constant 1280 : i32
      %add3A_175 = arith.addi %add3A_174, %mul3A_113 : i32
      %get3A_176 = arith.index_cast %add3A_175 : i32 to index
      %get3A_177 = tpu.vector_load %arg7[%get3A_176] {strides = array<i32>} : memref<13312xf32, #tpu.memory_space<vmem>>, vector<16xf32>,
      %get3A_178 = vector.shape_cast %get3A_177 : vector<16xf32> to vector<16xf32>
      %add3A_179 = arith.addf %add3A_173, %get3A_178 : vector<16xf32>
      %add3A_180 = arith.constant 1408 : i32
      %add3A_181 = arith.addi %add3A_180, %mul3A_113 : i32
      %get3A_182 = arith.index_cast %add3A_181 : i32 to index
      %get3A_183 = tpu.vector_load %arg7[%get3A_182] {strides = array<i32>} : memref<13312xf32, #tpu.memory_space<vmem>>, vector<16xf32>,
      %get3A_184 = vector.shape_cast %get3A_183 : vector<16xf32> to vector<16xf32>
      %add3A_185 = arith.addf %add3A_179, %get3A_184 : vector<16xf32>
      %add3A_186 = arith.constant 1536 : i32
      %add3A_187 = arith.addi %add3A_186, %mul3A_113 : i32
      %get3A_188 = arith.index_cast %add3A_187 : i32 to index
      %get3A_189 = tpu.vector_load %arg7[%get3A_188] {strides = array<i32>} : memref<13312xf32, #tpu.memory_space<vmem>>, vector<16xf32>,
      %get3A_190 = vector.shape_cast %get3A_189 : vector<16xf32> to vector<16xf32>
      %add3A_191 = arith.addf %add3A_185, %get3A_190 : vector<16xf32>
      %add3A_192 = arith.constant 1664 : i32
      %add3A_193 = arith.addi %add3A_192, %mul3A_113 : i32
      %get3A_194 = arith.index_cast %add3A_193 : i32 to index
      %get3A_195 = tpu.vector_load %arg7[%get3A_194] {strides = array<i32>} : memref<13312xf32, #tpu.memory_space<vmem>>, vector<16xf32>,
      %get3A_196 = vector.shape_cast %get3A_195 : vector<16xf32> to vector<16xf32>
      %add3A_197 = arith.addf %add3A_191, %get3A_196 : vector<16xf32>
      %add3A_198 = arith.constant 1792 : i32
      %add3A_199 = arith.addi %add3A_198, %mul3A_113 : i32
      %get3A_200 = arith.index_cast %add3A_199 : i32 to index
      %get3A_201 = tpu.vector_load %arg7[%get3A_200] {strides = array<i32>} : memref<13312xf32, #tpu.memory_space<vmem>>, vector<16xf32>,
      %get3A_202 = vector.shape_cast %get3A_201 : vector<16xf32> to vector<16xf32>
      %add3A_203 = arith.addf %add3A_197, %get3A_202 : vector<16xf32>
      %add3A_204 = arith.constant 1920 : i32
      %add3A_205 = arith.addi %add3A_204, %mul3A_113 : i32
      %get3A_206 = arith.index_cast %add3A_205 : i32 to index
      %get3A_207 = tpu.vector_load %arg7[%get3A_206] {strides = array<i32>} : memref<13312xf32, #tpu.memory_space<vmem>>, vector<16xf32>,
      %get3A_208 = vector.shape_cast %get3A_207 : vector<16xf32> to vector<16xf32>
      %add3A_209 = arith.addf %add3A_203, %get3A_208 : vector<16xf32>
      %add3A_210 = arith.constant 2048 : i32
      %add3A_211 = arith.addi %add3A_210, %mul3A_113 : i32
      %get3A_212 = arith.index_cast %add3A_211 : i32 to index
      %get3A_213 = tpu.vector_load %arg7[%get3A_212] {strides = array<i32>} : memref<13312xf32, #tpu.memory_space<vmem>>, vector<16xf32>,
      %get3A_214 = vector.shape_cast %get3A_213 : vector<16xf32> to vector<16xf32>
      %add3A_215 = arith.addf %add3A_209, %get3A_214 : vector<16xf32>
      %add3A_216 = arith.constant 2176 : i32
      %add3A_217 = arith.addi %add3A_216, %mul3A_113 : i32
      %get3A_218 = arith.index_cast %add3A_217 : i32 to index
      %get3A_219 = tpu.vector_load %arg7[%get3A_218] {strides = array<i32>} : memref<13312xf32, #tpu.memory_space<vmem>>, vector<16xf32>,
      %get3A_220 = vector.shape_cast %get3A_219 : vector<16xf32> to vector<16xf32>
      %add3A_221 = arith.addf %add3A_215, %get3A_220 : vector<16xf32>
      %add3A_222 = arith.constant 2304 : i32
      %add3A_223 = arith.addi %add3A_222, %mul3A_113 : i32
      %get3A_224 = arith.index_cast %add3A_223 : i32 to index
      %get3A_225 = tpu.vector_load %arg7[%get3A_224] {strides = array<i32>} : memref<13312xf32, #tpu.memory_space<vmem>>, vector<16xf32>,
      %get3A_226 = vector.shape_cast %get3A_225 : vector<16xf32> to vector<16xf32>
      %add3A_227 = arith.addf %add3A_221, %get3A_226 : vector<16xf32>
      %add3A_228 = arith.constant 2432 : i32
      %add3A_229 = arith.addi %add3A_228, %mul3A_113 : i32
      %get3A_230 = arith.index_cast %add3A_229 : i32 to index
      %get3A_231 = tpu.vector_load %arg7[%get3A_230] {strides = array<i32>} : memref<13312xf32, #tpu.memory_space<vmem>>, vector<16xf32>,
      %get3A_232 = vector.shape_cast %get3A_231 : vector<16xf32> to vector<16xf32>
      %add3A_233 = arith.addf %add3A_227, %get3A_232 : vector<16xf32>
      %add3A_234 = arith.constant 2560 : i32
      %add3A_235 = arith.addi %add3A_234, %mul3A_113 : i32
      %get3A_236 = arith.index_cast %add3A_235 : i32 to index
      %get3A_237 = tpu.vector_load %arg7[%get3A_236] {strides = array<i32>} : memref<13312xf32, #tpu.memory_space<vmem>>, vector<16xf32>,
      %get3A_238 = vector.shape_cast %get3A_237 : vector<16xf32> to vector<16xf32>
      %add3A_239 = arith.addf %add3A_233, %get3A_238 : vector<16xf32>
      %add3A_240 = arith.constant 2688 : i32
      %add3A_241 = arith.addi %add3A_240, %mul3A_113 : i32
      %get3A_242 = arith.index_cast %add3A_241 : i32 to index
      %get3A_243 = tpu.vector_load %arg7[%get3A_242] {strides = array<i32>} : memref<13312xf32, #tpu.memory_space<vmem>>, vector<16xf32>,
      %get3A_244 = vector.shape_cast %get3A_243 : vector<16xf32> to vector<16xf32>
      %add3A_245 = arith.addf %add3A_239, %get3A_244 : vector<16xf32>
      %add3A_246 = arith.constant 2816 : i32
      %add3A_247 = arith.addi %add3A_246, %mul3A_113 : i32
      %get3A_248 = arith.index_cast %add3A_247 : i32 to index
      %get3A_249 = tpu.vector_load %arg7[%get3A_248] {strides = array<i32>} : memref<13312xf32, #tpu.memory_space<vmem>>, vector<16xf32>,
      %get3A_250 = vector.shape_cast %get3A_249 : vector<16xf32> to vector<16xf32>
      %add3A_251 = arith.addf %add3A_245, %get3A_250 : vector<16xf32>
      %add3A_252 = arith.constant 2944 : i32
      %add3A_253 = arith.addi %add3A_252, %mul3A_113 : i32
      %get3A_254 = arith.index_cast %add3A_253 : i32 to index
      %get3A_255 = tpu.vector_load %arg7[%get3A_254] {strides = array<i32>} : memref<13312xf32, #tpu.memory_space<vmem>>, vector<16xf32>,
      %get3A_256 = vector.shape_cast %get3A_255 : vector<16xf32> to vector<16xf32>
      %add3A_257 = arith.addf %add3A_251, %get3A_256 : vector<16xf32>
      %add3A_258 = arith.constant 3072 : i32
      %add3A_259 = arith.addi %add3A_258, %mul3A_113 : i32
      %get3A_260 = arith.index_cast %add3A_259 : i32 to index
      %get3A_261 = tpu.vector_load %arg7[%get3A_260] {strides = array<i32>} : memref<13312xf32, #tpu.memory_space<vmem>>, vector<16xf32>,
      %get3A_262 = vector.shape_cast %get3A_261 : vector<16xf32> to vector<16xf32>
      %add3A_263 = arith.addf %add3A_257, %get3A_262 : vector<16xf32>
      %add3A_264 = arith.constant 3200 : i32
      %add3A_265 = arith.addi %add3A_264, %mul3A_113 : i32
      %get3A_266 = arith.index_cast %add3A_265 : i32 to index
      %get3A_267 = tpu.vector_load %arg7[%get3A_266] {strides = array<i32>} : memref<13312xf32, #tpu.memory_space<vmem>>, vector<16xf32>,
      %get3A_268 = vector.shape_cast %get3A_267 : vector<16xf32> to vector<16xf32>
      %add3A_269 = arith.addf %add3A_263, %get3A_268 : vector<16xf32>
      %add3A_270 = arith.constant 0 : i32
      %add3A_271 = arith.addi %add3A_270, %mul3A_113 : i32
      %swap3A = arith.index_cast %add3A_271 : i32 to index
      %swap3A_272 = tpu.vector_load %arg8[%swap3A] {strides = array<i32>} : memref<512xf32, #tpu.memory_space<vmem>>, vector<16xf32>,
      %swap3A_273 = vector.shape_cast %swap3A_272 : vector<16xf32> to vector<16xf32>
      %swap3A_274 = vector.shape_cast %add3A_269 : vector<16xf32> to vector<16xf32>
      tpu.vector_store %arg8[%swap3A], %swap3A_274 {strides = array<i32>} : memref<512xf32, #tpu.memory_space<vmem>>, vector<16xf32>,
      %scan3A_275 = arith.constant 0 : i32
      scf.yield %scan3A_275 : i32
    }
    %scan3A_56 = arith.constant 8 : i32
    %dma_wait3A_57 = arith.constant 0 : i32
    %dma_wait3A_58 = arith.constant 3328 : i32
    %dma_wait3A_59 = tpu.memref_slice %arg7[%dma_wait3A_58] : memref<13312xf32, #tpu.memory_space<vmem>> -> memref<3328xf32, #tpu.memory_space<vmem>>
    %dma_wait3A_60 = arith.constant 3328 : i32
    %dma_wait3A_61 = tpu.memref_slice %arg6[%dma_wait3A_60] : memref<13312xi32, #tpu.memory_space<vmem>> -> memref<3328xi32, #tpu.memory_space<vmem>>
    %dma_wait3A_62 = arith.constant 0 : i32
    %dma_wait3A_63 = tpu.memref_slice %arg3[%dma_wait3A_57, %dma_wait3A_62] : memref<1x2600960xf32, #tpu.memory_space<hbm>> -> memref<1x2600960xf32, #tpu.memory_space<hbm>>
    %dma_wait3A_64 = tpu.memref_squeeze %dma_wait3A_63 : memref<1x2600960xf32, #tpu.memory_space<hbm>> -> memref<2600960xf32, #tpu.memory_space<hbm>>
    %dma_wait3A_65 = arith.constant 0 : i32
    %dma_wait3A_66 = tpu.memref_slice %dma_wait3A_64[%dma_wait3A_65] : memref<2600960xf32, #tpu.memory_space<hbm>> -> memref<2600960xf32, #tpu.memory_space<hbm>>
    tpu.wait_indirect_dma semaphore(%arg11 : memref<!tpu.dma_semaphore, #tpu.memory_space<semaphore_mem>>) src(%dma_wait3A_66 : memref<2600960xf32, #tpu.memory_space<hbm>>) dst(%dma_wait3A_59 : memref<3328xf32, #tpu.memory_space<vmem>>)
    %scan3A_67 = arith.constant 0 : i32
    %scan3A_68 = arith.constant 0 : i32
    %scan3A_69 = arith.constant 8 : i32
    %scan3A_70 = arith.addi %scan3A_68, %scan3A_69 : i32
    %scan3A_71 = arith.constant 1 : i32
    %scan3A_72 = scf.for %scan3A_110 = %scan3A_68 to %scan3A_70 step %scan3A_71 iter_args(%scan3A_111 = %scan3A_67) -> (i32)  : i32 {
      %mul3A_112 = arith.constant 16 : i32
      %mul3A_113 = arith.muli %scan3A_110, %mul3A_112 : i32
      %add3A_114 = arith.constant 3328 : i32
      %add3A_115 = arith.addi %add3A_114, %mul3A_113 : i32
      %get3A_116 = arith.index_cast %add3A_115 : i32 to index
      %get3A_117 = tpu.vector_load %arg7[%get3A_116] {strides = array<i32>} : memref<13312xf32, #tpu.memory_space<vmem>>, vector<16xf32>,
      %get3A_118 = vector.shape_cast %get3A_117 : vector<16xf32> to vector<16xf32>
      %add3A_119 = arith.addf %get3A_41, %get3A_118 : vector<16xf32>
      %add3A_120 = arith.constant 3456 : i32
      %add3A_121 = arith.addi %add3A_120, %mul3A_113 : i32
      %get3A_122 = arith.index_cast %add3A_121 : i32 to index
      %get3A_123 = tpu.vector_load %arg7[%get3A_122] {strides = array<i32>} : memref<13312xf32, #tpu.memory_space<vmem>>, vector<16xf32>,
      %get3A_124 = vector.shape_cast %get3A_123 : vector<16xf32> to vector<16xf32>
      %add3A_125 = arith.addf %add3A_119, %get3A_124 : vector<16xf32>
      %add3A_126 = arith.constant 3584 : i32
      %add3A_127 = arith.addi %add3A_126, %mul3A_113 : i32
      %get3A_128 = arith.index_cast %add3A_127 : i32 to index
      %get3A_129 = tpu.vector_load %arg7[%get3A_128] {strides = array<i32>} : memref<13312xf32, #tpu.memory_space<vmem>>, vector<16xf32>,
      %get3A_130 = vector.shape_cast %get3A_129 : vector<16xf32> to vector<16xf32>
      %add3A_131 = arith.addf %add3A_125, %get3A_130 : vector<16xf32>
      %add3A_132 = arith.constant 3712 : i32
      %add3A_133 = arith.addi %add3A_132, %mul3A_113 : i32
      %get3A_134 = arith.index_cast %add3A_133 : i32 to index
      %get3A_135 = tpu.vector_load %arg7[%get3A_134] {strides = array<i32>} : memref<13312xf32, #tpu.memory_space<vmem>>, vector<16xf32>,
      %get3A_136 = vector.shape_cast %get3A_135 : vector<16xf32> to vector<16xf32>
      %add3A_137 = arith.addf %add3A_131, %get3A_136 : vector<16xf32>
      %add3A_138 = arith.constant 3840 : i32
      %add3A_139 = arith.addi %add3A_138, %mul3A_113 : i32
      %get3A_140 = arith.index_cast %add3A_139 : i32 to index
      %get3A_141 = tpu.vector_load %arg7[%get3A_140] {strides = array<i32>} : memref<13312xf32, #tpu.memory_space<vmem>>, vector<16xf32>,
      %get3A_142 = vector.shape_cast %get3A_141 : vector<16xf32> to vector<16xf32>
      %add3A_143 = arith.addf %add3A_137, %get3A_142 : vector<16xf32>
      %add3A_144 = arith.constant 3968 : i32
      %add3A_145 = arith.addi %add3A_144, %mul3A_113 : i32
      %get3A_146 = arith.index_cast %add3A_145 : i32 to index
      %get3A_147 = tpu.vector_load %arg7[%get3A_146] {strides = array<i32>} : memref<13312xf32, #tpu.memory_space<vmem>>, vector<16xf32>,
      %get3A_148 = vector.shape_cast %get3A_147 : vector<16xf32> to vector<16xf32>
      %add3A_149 = arith.addf %add3A_143, %get3A_148 : vector<16xf32>
      %add3A_150 = arith.constant 4096 : i32
      %add3A_151 = arith.addi %add3A_150, %mul3A_113 : i32
      %get3A_152 = arith.index_cast %add3A_151 : i32 to index
      %get3A_153 = tpu.vector_load %arg7[%get3A_152] {strides = array<i32>} : memref<13312xf32, #tpu.memory_space<vmem>>, vector<16xf32>,
      %get3A_154 = vector.shape_cast %get3A_153 : vector<16xf32> to vector<16xf32>
      %add3A_155 = arith.addf %add3A_149, %get3A_154 : vector<16xf32>
      %add3A_156 = arith.constant 4224 : i32
      %add3A_157 = arith.addi %add3A_156, %mul3A_113 : i32
      %get3A_158 = arith.index_cast %add3A_157 : i32 to index
      %get3A_159 = tpu.vector_load %arg7[%get3A_158] {strides = array<i32>} : memref<13312xf32, #tpu.memory_space<vmem>>, vector<16xf32>,
      %get3A_160 = vector.shape_cast %get3A_159 : vector<16xf32> to vector<16xf32>
      %add3A_161 = arith.addf %add3A_155, %get3A_160 : vector<16xf32>
      %add3A_162 = arith.constant 4352 : i32
      %add3A_163 = arith.addi %add3A_162, %mul3A_113 : i32
      %get3A_164 = arith.index_cast %add3A_163 : i32 to index
      %get3A_165 = tpu.vector_load %arg7[%get3A_164] {strides = array<i32>} : memref<13312xf32, #tpu.memory_space<vmem>>, vector<16xf32>,
      %get3A_166 = vector.shape_cast %get3A_165 : vector<16xf32> to vector<16xf32>
      %add3A_167 = arith.addf %add3A_161, %get3A_166 : vector<16xf32>
      %add3A_168 = arith.constant 4480 : i32
      %add3A_169 = arith.addi %add3A_168, %mul3A_113 : i32
      %get3A_170 = arith.index_cast %add3A_169 : i32 to index
      %get3A_171 = tpu.vector_load %arg7[%get3A_170] {strides = array<i32>} : memref<13312xf32, #tpu.memory_space<vmem>>, vector<16xf32>,
      %get3A_172 = vector.shape_cast %get3A_171 : vector<16xf32> to vector<16xf32>
      %add3A_173 = arith.addf %add3A_167, %get3A_172 : vector<16xf32>
      %add3A_174 = arith.constant 4608 : i32
      %add3A_175 = arith.addi %add3A_174, %mul3A_113 : i32
      %get3A_176 = arith.index_cast %add3A_175 : i32 to index
      %get3A_177 = tpu.vector_load %arg7[%get3A_176] {strides = array<i32>} : memref<13312xf32, #tpu.memory_space<vmem>>, vector<16xf32>,
      %get3A_178 = vector.shape_cast %get3A_177 : vector<16xf32> to vector<16xf32>
      %add3A_179 = arith.addf %add3A_173, %get3A_178 : vector<16xf32>
      %add3A_180 = arith.constant 4736 : i32
      %add3A_181 = arith.addi %add3A_180, %mul3A_113 : i32
      %get3A_182 = arith.index_cast %add3A_181 : i32 to index
      %get3A_183 = tpu.vector_load %arg7[%get3A_182] {strides = array<i32>} : memref<13312xf32, #tpu.memory_space<vmem>>, vector<16xf32>,
      %get3A_184 = vector.shape_cast %get3A_183 : vector<16xf32> to vector<16xf32>
      %add3A_185 = arith.addf %add3A_179, %get3A_184 : vector<16xf32>
      %add3A_186 = arith.constant 4864 : i32
      %add3A_187 = arith.addi %add3A_186, %mul3A_113 : i32
      %get3A_188 = arith.index_cast %add3A_187 : i32 to index
      %get3A_189 = tpu.vector_load %arg7[%get3A_188] {strides = array<i32>} : memref<13312xf32, #tpu.memory_space<vmem>>, vector<16xf32>,
      %get3A_190 = vector.shape_cast %get3A_189 : vector<16xf32> to vector<16xf32>
      %add3A_191 = arith.addf %add3A_185, %get3A_190 : vector<16xf32>
      %add3A_192 = arith.constant 4992 : i32
      %add3A_193 = arith.addi %add3A_192, %mul3A_113 : i32
      %get3A_194 = arith.index_cast %add3A_193 : i32 to index
      %get3A_195 = tpu.vector_load %arg7[%get3A_194] {strides = array<i32>} : memref<13312xf32, #tpu.memory_space<vmem>>, vector<16xf32>,
      %get3A_196 = vector.shape_cast %get3A_195 : vector<16xf32> to vector<16xf32>
      %add3A_197 = arith.addf %add3A_191, %get3A_196 : vector<16xf32>
      %add3A_198 = arith.constant 5120 : i32
      %add3A_199 = arith.addi %add3A_198, %mul3A_113 : i32
      %get3A_200 = arith.index_cast %add3A_199 : i32 to index
      %get3A_201 = tpu.vector_load %arg7[%get3A_200] {strides = array<i32>} : memref<13312xf32, #tpu.memory_space<vmem>>, vector<16xf32>,
      %get3A_202 = vector.shape_cast %get3A_201 : vector<16xf32> to vector<16xf32>
      %add3A_203 = arith.addf %add3A_197, %get3A_202 : vector<16xf32>
      %add3A_204 = arith.constant 5248 : i32
      %add3A_205 = arith.addi %add3A_204, %mul3A_113 : i32
      %get3A_206 = arith.index_cast %add3A_205 : i32 to index
      %get3A_207 = tpu.vector_load %arg7[%get3A_206] {strides = array<i32>} : memref<13312xf32, #tpu.memory_space<vmem>>, vector<16xf32>,
      %get3A_208 = vector.shape_cast %get3A_207 : vector<16xf32> to vector<16xf32>
      %add3A_209 = arith.addf %add3A_203, %get3A_208 : vector<16xf32>
      %add3A_210 = arith.constant 5376 : i32
      %add3A_211 = arith.addi %add3A_210, %mul3A_113 : i32
      %get3A_212 = arith.index_cast %add3A_211 : i32 to index
      %get3A_213 = tpu.vector_load %arg7[%get3A_212] {strides = array<i32>} : memref<13312xf32, #tpu.memory_space<vmem>>, vector<16xf32>,
      %get3A_214 = vector.shape_cast %get3A_213 : vector<16xf32> to vector<16xf32>
      %add3A_215 = arith.addf %add3A_209, %get3A_214 : vector<16xf32>
      %add3A_216 = arith.constant 5504 : i32
      %add3A_217 = arith.addi %add3A_216, %mul3A_113 : i32
      %get3A_218 = arith.index_cast %add3A_217 : i32 to index
      %get3A_219 = tpu.vector_load %arg7[%get3A_218] {strides = array<i32>} : memref<13312xf32, #tpu.memory_space<vmem>>, vector<16xf32>,
      %get3A_220 = vector.shape_cast %get3A_219 : vector<16xf32> to vector<16xf32>
      %add3A_221 = arith.addf %add3A_215, %get3A_220 : vector<16xf32>
      %add3A_222 = arith.constant 5632 : i32
      %add3A_223 = arith.addi %add3A_222, %mul3A_113 : i32
      %get3A_224 = arith.index_cast %add3A_223 : i32 to index
      %get3A_225 = tpu.vector_load %arg7[%get3A_224] {strides = array<i32>} : memref<13312xf32, #tpu.memory_space<vmem>>, vector<16xf32>,
      %get3A_226 = vector.shape_cast %get3A_225 : vector<16xf32> to vector<16xf32>
      %add3A_227 = arith.addf %add3A_221, %get3A_226 : vector<16xf32>
      %add3A_228 = arith.constant 5760 : i32
      %add3A_229 = arith.addi %add3A_228, %mul3A_113 : i32
      %get3A_230 = arith.index_cast %add3A_229 : i32 to index
      %get3A_231 = tpu.vector_load %arg7[%get3A_230] {strides = array<i32>} : memref<13312xf32, #tpu.memory_space<vmem>>, vector<16xf32>,
      %get3A_232 = vector.shape_cast %get3A_231 : vector<16xf32> to vector<16xf32>
      %add3A_233 = arith.addf %add3A_227, %get3A_232 : vector<16xf32>
      %add3A_234 = arith.constant 5888 : i32
      %add3A_235 = arith.addi %add3A_234, %mul3A_113 : i32
      %get3A_236 = arith.index_cast %add3A_235 : i32 to index
      %get3A_237 = tpu.vector_load %arg7[%get3A_236] {strides = array<i32>} : memref<13312xf32, #tpu.memory_space<vmem>>, vector<16xf32>,
      %get3A_238 = vector.shape_cast %get3A_237 : vector<16xf32> to vector<16xf32>
      %add3A_239 = arith.addf %add3A_233, %get3A_238 : vector<16xf32>
      %add3A_240 = arith.constant 6016 : i32
      %add3A_241 = arith.addi %add3A_240, %mul3A_113 : i32
      %get3A_242 = arith.index_cast %add3A_241 : i32 to index
      %get3A_243 = tpu.vector_load %arg7[%get3A_242] {strides = array<i32>} : memref<13312xf32, #tpu.memory_space<vmem>>, vector<16xf32>,
      %get3A_244 = vector.shape_cast %get3A_243 : vector<16xf32> to vector<16xf32>
      %add3A_245 = arith.addf %add3A_239, %get3A_244 : vector<16xf32>
      %add3A_246 = arith.constant 6144 : i32
      %add3A_247 = arith.addi %add3A_246, %mul3A_113 : i32
      %get3A_248 = arith.index_cast %add3A_247 : i32 to index
      %get3A_249 = tpu.vector_load %arg7[%get3A_248] {strides = array<i32>} : memref<13312xf32, #tpu.memory_space<vmem>>, vector<16xf32>,
      %get3A_250 = vector.shape_cast %get3A_249 : vector<16xf32> to vector<16xf32>
      %add3A_251 = arith.addf %add3A_245, %get3A_250 : vector<16xf32>
      %add3A_252 = arith.constant 6272 : i32
      %add3A_253 = arith.addi %add3A_252, %mul3A_113 : i32
      %get3A_254 = arith.index_cast %add3A_253 : i32 to index
      %get3A_255 = tpu.vector_load %arg7[%get3A_254] {strides = array<i32>} : memref<13312xf32, #tpu.memory_space<vmem>>, vector<16xf32>,
      %get3A_256 = vector.shape_cast %get3A_255 : vector<16xf32> to vector<16xf32>
      %add3A_257 = arith.addf %add3A_251, %get3A_256 : vector<16xf32>
      %add3A_258 = arith.constant 6400 : i32
      %add3A_259 = arith.addi %add3A_258, %mul3A_113 : i32
      %get3A_260 = arith.index_cast %add3A_259 : i32 to index
      %get3A_261 = tpu.vector_load %arg7[%get3A_260] {strides = array<i32>} : memref<13312xf32, #tpu.memory_space<vmem>>, vector<16xf32>,
      %get3A_262 = vector.shape_cast %get3A_261 : vector<16xf32> to vector<16xf32>
      %add3A_263 = arith.addf %add3A_257, %get3A_262 : vector<16xf32>
      %add3A_264 = arith.constant 6528 : i32
      %add3A_265 = arith.addi %add3A_264, %mul3A_113 : i32
      %get3A_266 = arith.index_cast %add3A_265 : i32 to index
      %get3A_267 = tpu.vector_load %arg7[%get3A_266] {strides = array<i32>} : memref<13312xf32, #tpu.memory_space<vmem>>, vector<16xf32>,
      %get3A_268 = vector.shape_cast %get3A_267 : vector<16xf32> to vector<16xf32>
      %add3A_269 = arith.addf %add3A_263, %get3A_268 : vector<16xf32>
      %add3A_270 = arith.constant 128 : i32
      %add3A_271 = arith.addi %add3A_270, %mul3A_113 : i32
      %swap3A = arith.index_cast %add3A_271 : i32 to index
      %swap3A_272 = tpu.vector_load %arg8[%swap3A] {strides = array<i32>} : memref<512xf32, #tpu.memory_space<vmem>>, vector<16xf32>,
      %swap3A_273 = vector.shape_cast %swap3A_272 : vector<16xf32> to vector<16xf32>
      %swap3A_274 = vector.shape_cast %add3A_269 : vector<16xf32> to vector<16xf32>
      tpu.vector_store %arg8[%swap3A], %swap3A_274 {strides = array<i32>} : memref<512xf32, #tpu.memory_space<vmem>>, vector<16xf32>,
      %scan3A_275 = arith.constant 0 : i32
      scf.yield %scan3A_275 : i32
    }
    %scan3A_73 = arith.constant 8 : i32
    %dma_wait3A_74 = arith.constant 0 : i32
    %dma_wait3A_75 = arith.constant 6656 : i32
    %dma_wait3A_76 = tpu.memref_slice %arg7[%dma_wait3A_75] : memref<13312xf32, #tpu.memory_space<vmem>> -> memref<3328xf32, #tpu.memory_space<vmem>>
    %dma_wait3A_77 = arith.constant 6656 : i32
    %dma_wait3A_78 = tpu.memref_slice %arg6[%dma_wait3A_77] : memref<13312xi32, #tpu.memory_space<vmem>> -> memref<3328xi32, #tpu.memory_space<vmem>>
    %dma_wait3A_79 = arith.constant 0 : i32
    %dma_wait3A_80 = tpu.memref_slice %arg3[%dma_wait3A_74, %dma_wait3A_79] : memref<1x2600960xf32, #tpu.memory_space<hbm>> -> memref<1x2600960xf32, #tpu.memory_space<hbm>>
    %dma_wait3A_81 = tpu.memref_squeeze %dma_wait3A_80 : memref<1x2600960xf32, #tpu.memory_space<hbm>> -> memref<2600960xf32, #tpu.memory_space<hbm>>
    %dma_wait3A_82 = arith.constant 0 : i32
    %dma_wait3A_83 = tpu.memref_slice %dma_wait3A_81[%dma_wait3A_82] : memref<2600960xf32, #tpu.memory_space<hbm>> -> memref<2600960xf32, #tpu.memory_space<hbm>>
    tpu.wait_indirect_dma semaphore(%arg12 : memref<!tpu.dma_semaphore, #tpu.memory_space<semaphore_mem>>) src(%dma_wait3A_83 : memref<2600960xf32, #tpu.memory_space<hbm>>) dst(%dma_wait3A_76 : memref<3328xf32, #tpu.memory_space<vmem>>)
    %scan3A_84 = arith.constant 0 : i32
    %scan3A_85 = arith.constant 0 : i32
    %scan3A_86 = arith.constant 8 : i32
    %scan3A_87 = arith.addi %scan3A_85, %scan3A_86 : i32
    %scan3A_88 = arith.constant 1 : i32
    %scan3A_89 = scf.for %scan3A_110 = %scan3A_85 to %scan3A_87 step %scan3A_88 iter_args(%scan3A_111 = %scan3A_84) -> (i32)  : i32 {
      %mul3A_112 = arith.constant 16 : i32
      %mul3A_113 = arith.muli %scan3A_110, %mul3A_112 : i32
      %add3A_114 = arith.constant 6656 : i32
      %add3A_115 = arith.addi %add3A_114, %mul3A_113 : i32
      %get3A_116 = arith.index_cast %add3A_115 : i32 to index
      %get3A_117 = tpu.vector_load %arg7[%get3A_116] {strides = array<i32>} : memref<13312xf32, #tpu.memory_space<vmem>>, vector<16xf32>,
      %get3A_118 = vector.shape_cast %get3A_117 : vector<16xf32> to vector<16xf32>
      %add3A_119 = arith.addf %get3A_41, %get3A_118 : vector<16xf32>
      %add3A_120 = arith.constant 6784 : i32
      %add3A_121 = arith.addi %add3A_120, %mul3A_113 : i32
      %get3A_122 = arith.index_cast %add3A_121 : i32 to index
      %get3A_123 = tpu.vector_load %arg7[%get3A_122] {strides = array<i32>} : memref<13312xf32, #tpu.memory_space<vmem>>, vector<16xf32>,
      %get3A_124 = vector.shape_cast %get3A_123 : vector<16xf32> to vector<16xf32>
      %add3A_125 = arith.addf %add3A_119, %get3A_124 : vector<16xf32>
      %add3A_126 = arith.constant 6912 : i32
      %add3A_127 = arith.addi %add3A_126, %mul3A_113 : i32
      %get3A_128 = arith.index_cast %add3A_127 : i32 to index
      %get3A_129 = tpu.vector_load %arg7[%get3A_128] {strides = array<i32>} : memref<13312xf32, #tpu.memory_space<vmem>>, vector<16xf32>,
      %get3A_130 = vector.shape_cast %get3A_129 : vector<16xf32> to vector<16xf32>
      %add3A_131 = arith.addf %add3A_125, %get3A_130 : vector<16xf32>
      %add3A_132 = arith.constant 7040 : i32
      %add3A_133 = arith.addi %add3A_132, %mul3A_113 : i32
      %get3A_134 = arith.index_cast %add3A_133 : i32 to index
      %get3A_135 = tpu.vector_load %arg7[%get3A_134] {strides = array<i32>} : memref<13312xf32, #tpu.memory_space<vmem>>, vector<16xf32>,
      %get3A_136 = vector.shape_cast %get3A_135 : vector<16xf32> to vector<16xf32>
      %add3A_137 = arith.addf %add3A_131, %get3A_136 : vector<16xf32>
      %add3A_138 = arith.constant 7168 : i32
      %add3A_139 = arith.addi %add3A_138, %mul3A_113 : i32
      %get3A_140 = arith.index_cast %add3A_139 : i32 to index
      %get3A_141 = tpu.vector_load %arg7[%get3A_140] {strides = array<i32>} : memref<13312xf32, #tpu.memory_space<vmem>>, vector<16xf32>,
      %get3A_142 = vector.shape_cast %get3A_141 : vector<16xf32> to vector<16xf32>
      %add3A_143 = arith.addf %add3A_137, %get3A_142 : vector<16xf32>
      %add3A_144 = arith.constant 7296 : i32
      %add3A_145 = arith.addi %add3A_144, %mul3A_113 : i32
      %get3A_146 = arith.index_cast %add3A_145 : i32 to index
      %get3A_147 = tpu.vector_load %arg7[%get3A_146] {strides = array<i32>} : memref<13312xf32, #tpu.memory_space<vmem>>, vector<16xf32>,
      %get3A_148 = vector.shape_cast %get3A_147 : vector<16xf32> to vector<16xf32>
      %add3A_149 = arith.addf %add3A_143, %get3A_148 : vector<16xf32>
      %add3A_150 = arith.constant 7424 : i32
      %add3A_151 = arith.addi %add3A_150, %mul3A_113 : i32
      %get3A_152 = arith.index_cast %add3A_151 : i32 to index
      %get3A_153 = tpu.vector_load %arg7[%get3A_152] {strides = array<i32>} : memref<13312xf32, #tpu.memory_space<vmem>>, vector<16xf32>,
      %get3A_154 = vector.shape_cast %get3A_153 : vector<16xf32> to vector<16xf32>
      %add3A_155 = arith.addf %add3A_149, %get3A_154 : vector<16xf32>
      %add3A_156 = arith.constant 7552 : i32
      %add3A_157 = arith.addi %add3A_156, %mul3A_113 : i32
      %get3A_158 = arith.index_cast %add3A_157 : i32 to index
      %get3A_159 = tpu.vector_load %arg7[%get3A_158] {strides = array<i32>} : memref<13312xf32, #tpu.memory_space<vmem>>, vector<16xf32>,
      %get3A_160 = vector.shape_cast %get3A_159 : vector<16xf32> to vector<16xf32>
      %add3A_161 = arith.addf %add3A_155, %get3A_160 : vector<16xf32>
      %add3A_162 = arith.constant 7680 : i32
      %add3A_163 = arith.addi %add3A_162, %mul3A_113 : i32
      %get3A_164 = arith.index_cast %add3A_163 : i32 to index
      %get3A_165 = tpu.vector_load %arg7[%get3A_164] {strides = array<i32>} : memref<13312xf32, #tpu.memory_space<vmem>>, vector<16xf32>,
      %get3A_166 = vector.shape_cast %get3A_165 : vector<16xf32> to vector<16xf32>
      %add3A_167 = arith.addf %add3A_161, %get3A_166 : vector<16xf32>
      %add3A_168 = arith.constant 7808 : i32
      %add3A_169 = arith.addi %add3A_168, %mul3A_113 : i32
      %get3A_170 = arith.index_cast %add3A_169 : i32 to index
      %get3A_171 = tpu.vector_load %arg7[%get3A_170] {strides = array<i32>} : memref<13312xf32, #tpu.memory_space<vmem>>, vector<16xf32>,
      %get3A_172 = vector.shape_cast %get3A_171 : vector<16xf32> to vector<16xf32>
      %add3A_173 = arith.addf %add3A_167, %get3A_172 : vector<16xf32>
      %add3A_174 = arith.constant 7936 : i32
      %add3A_175 = arith.addi %add3A_174, %mul3A_113 : i32
      %get3A_176 = arith.index_cast %add3A_175 : i32 to index
      %get3A_177 = tpu.vector_load %arg7[%get3A_176] {strides = array<i32>} : memref<13312xf32, #tpu.memory_space<vmem>>, vector<16xf32>,
      %get3A_178 = vector.shape_cast %get3A_177 : vector<16xf32> to vector<16xf32>
      %add3A_179 = arith.addf %add3A_173, %get3A_178 : vector<16xf32>
      %add3A_180 = arith.constant 8064 : i32
      %add3A_181 = arith.addi %add3A_180, %mul3A_113 : i32
      %get3A_182 = arith.index_cast %add3A_181 : i32 to index
      %get3A_183 = tpu.vector_load %arg7[%get3A_182] {strides = array<i32>} : memref<13312xf32, #tpu.memory_space<vmem>>, vector<16xf32>,
      %get3A_184 = vector.shape_cast %get3A_183 : vector<16xf32> to vector<16xf32>
      %add3A_185 = arith.addf %add3A_179, %get3A_184 : vector<16xf32>
      %add3A_186 = arith.constant 8192 : i32
      %add3A_187 = arith.addi %add3A_186, %mul3A_113 : i32
      %get3A_188 = arith.index_cast %add3A_187 : i32 to index
      %get3A_189 = tpu.vector_load %arg7[%get3A_188] {strides = array<i32>} : memref<13312xf32, #tpu.memory_space<vmem>>, vector<16xf32>,
      %get3A_190 = vector.shape_cast %get3A_189 : vector<16xf32> to vector<16xf32>
      %add3A_191 = arith.addf %add3A_185, %get3A_190 : vector<16xf32>
      %add3A_192 = arith.constant 8320 : i32
      %add3A_193 = arith.addi %add3A_192, %mul3A_113 : i32
      %get3A_194 = arith.index_cast %add3A_193 : i32 to index
      %get3A_195 = tpu.vector_load %arg7[%get3A_194] {strides = array<i32>} : memref<13312xf32, #tpu.memory_space<vmem>>, vector<16xf32>,
      %get3A_196 = vector.shape_cast %get3A_195 : vector<16xf32> to vector<16xf32>
      %add3A_197 = arith.addf %add3A_191, %get3A_196 : vector<16xf32>
      %add3A_198 = arith.constant 8448 : i32
      %add3A_199 = arith.addi %add3A_198, %mul3A_113 : i32
      %get3A_200 = arith.index_cast %add3A_199 : i32 to index
      %get3A_201 = tpu.vector_load %arg7[%get3A_200] {strides = array<i32>} : memref<13312xf32, #tpu.memory_space<vmem>>, vector<16xf32>,
      %get3A_202 = vector.shape_cast %get3A_201 : vector<16xf32> to vector<16xf32>
      %add3A_203 = arith.addf %add3A_197, %get3A_202 : vector<16xf32>
      %add3A_204 = arith.constant 8576 : i32
      %add3A_205 = arith.addi %add3A_204, %mul3A_113 : i32
      %get3A_206 = arith.index_cast %add3A_205 : i32 to index
      %get3A_207 = tpu.vector_load %arg7[%get3A_206] {strides = array<i32>} : memref<13312xf32, #tpu.memory_space<vmem>>, vector<16xf32>,
      %get3A_208 = vector.shape_cast %get3A_207 : vector<16xf32> to vector<16xf32>
      %add3A_209 = arith.addf %add3A_203, %get3A_208 : vector<16xf32>
      %add3A_210 = arith.constant 8704 : i32
      %add3A_211 = arith.addi %add3A_210, %mul3A_113 : i32
      %get3A_212 = arith.index_cast %add3A_211 : i32 to index
      %get3A_213 = tpu.vector_load %arg7[%get3A_212] {strides = array<i32>} : memref<13312xf32, #tpu.memory_space<vmem>>, vector<16xf32>,
      %get3A_214 = vector.shape_cast %get3A_213 : vector<16xf32> to vector<16xf32>
      %add3A_215 = arith.addf %add3A_209, %get3A_214 : vector<16xf32>
      %add3A_216 = arith.constant 8832 : i32
      %add3A_217 = arith.addi %add3A_216, %mul3A_113 : i32
      %get3A_218 = arith.index_cast %add3A_217 : i32 to index
      %get3A_219 = tpu.vector_load %arg7[%get3A_218] {strides = array<i32>} : memref<13312xf32, #tpu.memory_space<vmem>>, vector<16xf32>,
      %get3A_220 = vector.shape_cast %get3A_219 : vector<16xf32> to vector<16xf32>
      %add3A_221 = arith.addf %add3A_215, %get3A_220 : vector<16xf32>
      %add3A_222 = arith.constant 8960 : i32
      %add3A_223 = arith.addi %add3A_222, %mul3A_113 : i32
      %get3A_224 = arith.index_cast %add3A_223 : i32 to index
      %get3A_225 = tpu.vector_load %arg7[%get3A_224] {strides = array<i32>} : memref<13312xf32, #tpu.memory_space<vmem>>, vector<16xf32>,
      %get3A_226 = vector.shape_cast %get3A_225 : vector<16xf32> to vector<16xf32>
      %add3A_227 = arith.addf %add3A_221, %get3A_226 : vector<16xf32>
      %add3A_228 = arith.constant 9088 : i32
      %add3A_229 = arith.addi %add3A_228, %mul3A_113 : i32
      %get3A_230 = arith.index_cast %add3A_229 : i32 to index
      %get3A_231 = tpu.vector_load %arg7[%get3A_230] {strides = array<i32>} : memref<13312xf32, #tpu.memory_space<vmem>>, vector<16xf32>,
      %get3A_232 = vector.shape_cast %get3A_231 : vector<16xf32> to vector<16xf32>
      %add3A_233 = arith.addf %add3A_227, %get3A_232 : vector<16xf32>
      %add3A_234 = arith.constant 9216 : i32
      %add3A_235 = arith.addi %add3A_234, %mul3A_113 : i32
      %get3A_236 = arith.index_cast %add3A_235 : i32 to index
      %get3A_237 = tpu.vector_load %arg7[%get3A_236] {strides = array<i32>} : memref<13312xf32, #tpu.memory_space<vmem>>, vector<16xf32>,
      %get3A_238 = vector.shape_cast %get3A_237 : vector<16xf32> to vector<16xf32>
      %add3A_239 = arith.addf %add3A_233, %get3A_238 : vector<16xf32>
      %add3A_240 = arith.constant 9344 : i32
      %add3A_241 = arith.addi %add3A_240, %mul3A_113 : i32
      %get3A_242 = arith.index_cast %add3A_241 : i32 to index
      %get3A_243 = tpu.vector_load %arg7[%get3A_242] {strides = array<i32>} : memref<13312xf32, #tpu.memory_space<vmem>>, vector<16xf32>,
      %get3A_244 = vector.shape_cast %get3A_243 : vector<16xf32> to vector<16xf32>
      %add3A_245 = arith.addf %add3A_239, %get3A_244 : vector<16xf32>
      %add3A_246 = arith.constant 9472 : i32
      %add3A_247 = arith.addi %add3A_246, %mul3A_113 : i32
      %get3A_248 = arith.index_cast %add3A_247 : i32 to index
      %get3A_249 = tpu.vector_load %arg7[%get3A_248] {strides = array<i32>} : memref<13312xf32, #tpu.memory_space<vmem>>, vector<16xf32>,
      %get3A_250 = vector.shape_cast %get3A_249 : vector<16xf32> to vector<16xf32>
      %add3A_251 = arith.addf %add3A_245, %get3A_250 : vector<16xf32>
      %add3A_252 = arith.constant 9600 : i32
      %add3A_253 = arith.addi %add3A_252, %mul3A_113 : i32
      %get3A_254 = arith.index_cast %add3A_253 : i32 to index
      %get3A_255 = tpu.vector_load %arg7[%get3A_254] {strides = array<i32>} : memref<13312xf32, #tpu.memory_space<vmem>>, vector<16xf32>,
      %get3A_256 = vector.shape_cast %get3A_255 : vector<16xf32> to vector<16xf32>
      %add3A_257 = arith.addf %add3A_251, %get3A_256 : vector<16xf32>
      %add3A_258 = arith.constant 9728 : i32
      %add3A_259 = arith.addi %add3A_258, %mul3A_113 : i32
      %get3A_260 = arith.index_cast %add3A_259 : i32 to index
      %get3A_261 = tpu.vector_load %arg7[%get3A_260] {strides = array<i32>} : memref<13312xf32, #tpu.memory_space<vmem>>, vector<16xf32>,
      %get3A_262 = vector.shape_cast %get3A_261 : vector<16xf32> to vector<16xf32>
      %add3A_263 = arith.addf %add3A_257, %get3A_262 : vector<16xf32>
      %add3A_264 = arith.constant 9856 : i32
      %add3A_265 = arith.addi %add3A_264, %mul3A_113 : i32
      %get3A_266 = arith.index_cast %add3A_265 : i32 to index
      %get3A_267 = tpu.vector_load %arg7[%get3A_266] {strides = array<i32>} : memref<13312xf32, #tpu.memory_space<vmem>>, vector<16xf32>,
      %get3A_268 = vector.shape_cast %get3A_267 : vector<16xf32> to vector<16xf32>
      %add3A_269 = arith.addf %add3A_263, %get3A_268 : vector<16xf32>
      %add3A_270 = arith.constant 256 : i32
      %add3A_271 = arith.addi %add3A_270, %mul3A_113 : i32
      %swap3A = arith.index_cast %add3A_271 : i32 to index
      %swap3A_272 = tpu.vector_load %arg8[%swap3A] {strides = array<i32>} : memref<512xf32, #tpu.memory_space<vmem>>, vector<16xf32>,
      %swap3A_273 = vector.shape_cast %swap3A_272 : vector<16xf32> to vector<16xf32>
      %swap3A_274 = vector.shape_cast %add3A_269 : vector<16xf32> to vector<16xf32>
      tpu.vector_store %arg8[%swap3A], %swap3A_274 {strides = array<i32>} : memref<512xf32, #tpu.memory_space<vmem>>, vector<16xf32>,
      %scan3A_275 = arith.constant 0 : i32
      scf.yield %scan3A_275 : i32
    }
    %scan3A_90 = arith.constant 8 : i32
    %dma_wait3A_91 = arith.constant 0 : i32
    %dma_wait3A_92 = arith.constant 9984 : i32
    %dma_wait3A_93 = tpu.memref_slice %arg7[%dma_wait3A_92] : memref<13312xf32, #tpu.memory_space<vmem>> -> memref<3328xf32, #tpu.memory_space<vmem>>
    %dma_wait3A_94 = arith.constant 9984 : i32
    %dma_wait3A_95 = tpu.memref_slice %arg6[%dma_wait3A_94] : memref<13312xi32, #tpu.memory_space<vmem>> -> memref<3328xi32, #tpu.memory_space<vmem>>
    %dma_wait3A_96 = arith.constant 0 : i32
    %dma_wait3A_97 = tpu.memref_slice %arg3[%dma_wait3A_91, %dma_wait3A_96] : memref<1x2600960xf32, #tpu.memory_space<hbm>> -> memref<1x2600960xf32, #tpu.memory_space<hbm>>
    %dma_wait3A_98 = tpu.memref_squeeze %dma_wait3A_97 : memref<1x2600960xf32, #tpu.memory_space<hbm>> -> memref<2600960xf32, #tpu.memory_space<hbm>>
    %dma_wait3A_99 = arith.constant 0 : i32
    %dma_wait3A_100 = tpu.memref_slice %dma_wait3A_98[%dma_wait3A_99] : memref<2600960xf32, #tpu.memory_space<hbm>> -> memref<2600960xf32, #tpu.memory_space<hbm>>
    tpu.wait_indirect_dma semaphore(%arg13 : memref<!tpu.dma_semaphore, #tpu.memory_space<semaphore_mem>>) src(%dma_wait3A_100 : memref<2600960xf32, #tpu.memory_space<hbm>>) dst(%dma_wait3A_93 : memref<3328xf32, #tpu.memory_space<vmem>>)
    %scan3A_101 = arith.constant 0 : i32
    %scan3A_102 = arith.constant 0 : i32
    %scan3A_103 = arith.constant 8 : i32
    %scan3A_104 = arith.addi %scan3A_102, %scan3A_103 : i32
    %scan3A_105 = arith.constant 1 : i32
    %scan3A_106 = scf.for %scan3A_110 = %scan3A_102 to %scan3A_104 step %scan3A_105 iter_args(%scan3A_111 = %scan3A_101) -> (i32)  : i32 {
      %mul3A_112 = arith.constant 16 : i32
      %mul3A_113 = arith.muli %scan3A_110, %mul3A_112 : i32
      %add3A_114 = arith.constant 9984 : i32
      %add3A_115 = arith.addi %add3A_114, %mul3A_113 : i32
      %get3A_116 = arith.index_cast %add3A_115 : i32 to index
      %get3A_117 = tpu.vector_load %arg7[%get3A_116] {strides = array<i32>} : memref<13312xf32, #tpu.memory_space<vmem>>, vector<16xf32>,
      %get3A_118 = vector.shape_cast %get3A_117 : vector<16xf32> to vector<16xf32>
      %add3A_119 = arith.addf %get3A_41, %get3A_118 : vector<16xf32>
      %add3A_120 = arith.constant 10112 : i32
      %add3A_121 = arith.addi %add3A_120, %mul3A_113 : i32
      %get3A_122 = arith.index_cast %add3A_121 : i32 to index
      %get3A_123 = tpu.vector_load %arg7[%get3A_122] {strides = array<i32>} : memref<13312xf32, #tpu.memory_space<vmem>>, vector<16xf32>,
      %get3A_124 = vector.shape_cast %get3A_123 : vector<16xf32> to vector<16xf32>
      %add3A_125 = arith.addf %add3A_119, %get3A_124 : vector<16xf32>
      %add3A_126 = arith.constant 10240 : i32
      %add3A_127 = arith.addi %add3A_126, %mul3A_113 : i32
      %get3A_128 = arith.index_cast %add3A_127 : i32 to index
      %get3A_129 = tpu.vector_load %arg7[%get3A_128] {strides = array<i32>} : memref<13312xf32, #tpu.memory_space<vmem>>, vector<16xf32>,
      %get3A_130 = vector.shape_cast %get3A_129 : vector<16xf32> to vector<16xf32>
      %add3A_131 = arith.addf %add3A_125, %get3A_130 : vector<16xf32>
      %add3A_132 = arith.constant 10368 : i32
      %add3A_133 = arith.addi %add3A_132, %mul3A_113 : i32
      %get3A_134 = arith.index_cast %add3A_133 : i32 to index
      %get3A_135 = tpu.vector_load %arg7[%get3A_134] {strides = array<i32>} : memref<13312xf32, #tpu.memory_space<vmem>>, vector<16xf32>,
      %get3A_136 = vector.shape_cast %get3A_135 : vector<16xf32> to vector<16xf32>
      %add3A_137 = arith.addf %add3A_131, %get3A_136 : vector<16xf32>
      %add3A_138 = arith.constant 10496 : i32
      %add3A_139 = arith.addi %add3A_138, %mul3A_113 : i32
      %get3A_140 = arith.index_cast %add3A_139 : i32 to index
      %get3A_141 = tpu.vector_load %arg7[%get3A_140] {strides = array<i32>} : memref<13312xf32, #tpu.memory_space<vmem>>, vector<16xf32>,
      %get3A_142 = vector.shape_cast %get3A_141 : vector<16xf32> to vector<16xf32>
      %add3A_143 = arith.addf %add3A_137, %get3A_142 : vector<16xf32>
      %add3A_144 = arith.constant 10624 : i32
      %add3A_145 = arith.addi %add3A_144, %mul3A_113 : i32
      %get3A_146 = arith.index_cast %add3A_145 : i32 to index
      %get3A_147 = tpu.vector_load %arg7[%get3A_146] {strides = array<i32>} : memref<13312xf32, #tpu.memory_space<vmem>>, vector<16xf32>,
      %get3A_148 = vector.shape_cast %get3A_147 : vector<16xf32> to vector<16xf32>
      %add3A_149 = arith.addf %add3A_143, %get3A_148 : vector<16xf32>
      %add3A_150 = arith.constant 10752 : i32
      %add3A_151 = arith.addi %add3A_150, %mul3A_113 : i32
      %get3A_152 = arith.index_cast %add3A_151 : i32 to index
      %get3A_153 = tpu.vector_load %arg7[%get3A_152] {strides = array<i32>} : memref<13312xf32, #tpu.memory_space<vmem>>, vector<16xf32>,
      %get3A_154 = vector.shape_cast %get3A_153 : vector<16xf32> to vector<16xf32>
      %add3A_155 = arith.addf %add3A_149, %get3A_154 : vector<16xf32>
      %add3A_156 = arith.constant 10880 : i32
      %add3A_157 = arith.addi %add3A_156, %mul3A_113 : i32
      %get3A_158 = arith.index_cast %add3A_157 : i32 to index
      %get3A_159 = tpu.vector_load %arg7[%get3A_158] {strides = array<i32>} : memref<13312xf32, #tpu.memory_space<vmem>>, vector<16xf32>,
      %get3A_160 = vector.shape_cast %get3A_159 : vector<16xf32> to vector<16xf32>
      %add3A_161 = arith.addf %add3A_155, %get3A_160 : vector<16xf32>
      %add3A_162 = arith.constant 11008 : i32
      %add3A_163 = arith.addi %add3A_162, %mul3A_113 : i32
      %get3A_164 = arith.index_cast %add3A_163 : i32 to index
      %get3A_165 = tpu.vector_load %arg7[%get3A_164] {strides = array<i32>} : memref<13312xf32, #tpu.memory_space<vmem>>, vector<16xf32>,
      %get3A_166 = vector.shape_cast %get3A_165 : vector<16xf32> to vector<16xf32>
      %add3A_167 = arith.addf %add3A_161, %get3A_166 : vector<16xf32>
      %add3A_168 = arith.constant 11136 : i32
      %add3A_169 = arith.addi %add3A_168, %mul3A_113 : i32
      %get3A_170 = arith.index_cast %add3A_169 : i32 to index
      %get3A_171 = tpu.vector_load %arg7[%get3A_170] {strides = array<i32>} : memref<13312xf32, #tpu.memory_space<vmem>>, vector<16xf32>,
      %get3A_172 = vector.shape_cast %get3A_171 : vector<16xf32> to vector<16xf32>
      %add3A_173 = arith.addf %add3A_167, %get3A_172 : vector<16xf32>
      %add3A_174 = arith.constant 11264 : i32
      %add3A_175 = arith.addi %add3A_174, %mul3A_113 : i32
      %get3A_176 = arith.index_cast %add3A_175 : i32 to index
      %get3A_177 = tpu.vector_load %arg7[%get3A_176] {strides = array<i32>} : memref<13312xf32, #tpu.memory_space<vmem>>, vector<16xf32>,
      %get3A_178 = vector.shape_cast %get3A_177 : vector<16xf32> to vector<16xf32>
      %add3A_179 = arith.addf %add3A_173, %get3A_178 : vector<16xf32>
      %add3A_180 = arith.constant 11392 : i32
      %add3A_181 = arith.addi %add3A_180, %mul3A_113 : i32
      %get3A_182 = arith.index_cast %add3A_181 : i32 to index
      %get3A_183 = tpu.vector_load %arg7[%get3A_182] {strides = array<i32>} : memref<13312xf32, #tpu.memory_space<vmem>>, vector<16xf32>,
      %get3A_184 = vector.shape_cast %get3A_183 : vector<16xf32> to vector<16xf32>
      %add3A_185 = arith.addf %add3A_179, %get3A_184 : vector<16xf32>
      %add3A_186 = arith.constant 11520 : i32
      %add3A_187 = arith.addi %add3A_186, %mul3A_113 : i32
      %get3A_188 = arith.index_cast %add3A_187 : i32 to index
      %get3A_189 = tpu.vector_load %arg7[%get3A_188] {strides = array<i32>} : memref<13312xf32, #tpu.memory_space<vmem>>, vector<16xf32>,
      %get3A_190 = vector.shape_cast %get3A_189 : vector<16xf32> to vector<16xf32>
      %add3A_191 = arith.addf %add3A_185, %get3A_190 : vector<16xf32>
      %add3A_192 = arith.constant 11648 : i32
      %add3A_193 = arith.addi %add3A_192, %mul3A_113 : i32
      %get3A_194 = arith.index_cast %add3A_193 : i32 to index
      %get3A_195 = tpu.vector_load %arg7[%get3A_194] {strides = array<i32>} : memref<13312xf32, #tpu.memory_space<vmem>>, vector<16xf32>,
      %get3A_196 = vector.shape_cast %get3A_195 : vector<16xf32> to vector<16xf32>
      %add3A_197 = arith.addf %add3A_191, %get3A_196 : vector<16xf32>
      %add3A_198 = arith.constant 11776 : i32
      %add3A_199 = arith.addi %add3A_198, %mul3A_113 : i32
      %get3A_200 = arith.index_cast %add3A_199 : i32 to index
      %get3A_201 = tpu.vector_load %arg7[%get3A_200] {strides = array<i32>} : memref<13312xf32, #tpu.memory_space<vmem>>, vector<16xf32>,
      %get3A_202 = vector.shape_cast %get3A_201 : vector<16xf32> to vector<16xf32>
      %add3A_203 = arith.addf %add3A_197, %get3A_202 : vector<16xf32>
      %add3A_204 = arith.constant 11904 : i32
      %add3A_205 = arith.addi %add3A_204, %mul3A_113 : i32
      %get3A_206 = arith.index_cast %add3A_205 : i32 to index
      %get3A_207 = tpu.vector_load %arg7[%get3A_206] {strides = array<i32>} : memref<13312xf32, #tpu.memory_space<vmem>>, vector<16xf32>,
      %get3A_208 = vector.shape_cast %get3A_207 : vector<16xf32> to vector<16xf32>
      %add3A_209 = arith.addf %add3A_203, %get3A_208 : vector<16xf32>
      %add3A_210 = arith.constant 12032 : i32
      %add3A_211 = arith.addi %add3A_210, %mul3A_113 : i32
      %get3A_212 = arith.index_cast %add3A_211 : i32 to index
      %get3A_213 = tpu.vector_load %arg7[%get3A_212] {strides = array<i32>} : memref<13312xf32, #tpu.memory_space<vmem>>, vector<16xf32>,
      %get3A_214 = vector.shape_cast %get3A_213 : vector<16xf32> to vector<16xf32>
      %add3A_215 = arith.addf %add3A_209, %get3A_214 : vector<16xf32>
      %add3A_216 = arith.constant 12160 : i32
      %add3A_217 = arith.addi %add3A_216, %mul3A_113 : i32
      %get3A_218 = arith.index_cast %add3A_217 : i32 to index
      %get3A_219 = tpu.vector_load %arg7[%get3A_218] {strides = array<i32>} : memref<13312xf32, #tpu.memory_space<vmem>>, vector<16xf32>,
      %get3A_220 = vector.shape_cast %get3A_219 : vector<16xf32> to vector<16xf32>
      %add3A_221 = arith.addf %add3A_215, %get3A_220 : vector<16xf32>
      %add3A_222 = arith.constant 12288 : i32
      %add3A_223 = arith.addi %add3A_222, %mul3A_113 : i32
      %get3A_224 = arith.index_cast %add3A_223 : i32 to index
      %get3A_225 = tpu.vector_load %arg7[%get3A_224] {strides = array<i32>} : memref<13312xf32, #tpu.memory_space<vmem>>, vector<16xf32>,
      %get3A_226 = vector.shape_cast %get3A_225 : vector<16xf32> to vector<16xf32>
      %add3A_227 = arith.addf %add3A_221, %get3A_226 : vector<16xf32>
      %add3A_228 = arith.constant 12416 : i32
      %add3A_229 = arith.addi %add3A_228, %mul3A_113 : i32
      %get3A_230 = arith.index_cast %add3A_229 : i32 to index
      %get3A_231 = tpu.vector_load %arg7[%get3A_230] {strides = array<i32>} : memref<13312xf32, #tpu.memory_space<vmem>>, vector<16xf32>,
      %get3A_232 = vector.shape_cast %get3A_231 : vector<16xf32> to vector<16xf32>
      %add3A_233 = arith.addf %add3A_227, %get3A_232 : vector<16xf32>
      %add3A_234 = arith.constant 12544 : i32
      %add3A_235 = arith.addi %add3A_234, %mul3A_113 : i32
      %get3A_236 = arith.index_cast %add3A_235 : i32 to index
      %get3A_237 = tpu.vector_load %arg7[%get3A_236] {strides = array<i32>} : memref<13312xf32, #tpu.memory_space<vmem>>, vector<16xf32>,
      %get3A_238 = vector.shape_cast %get3A_237 : vector<16xf32> to vector<16xf32>
      %add3A_239 = arith.addf %add3A_233, %get3A_238 : vector<16xf32>
      %add3A_240 = arith.constant 12672 : i32
      %add3A_241 = arith.addi %add3A_240, %mul3A_113 : i32
      %get3A_242 = arith.index_cast %add3A_241 : i32 to index
      %get3A_243 = tpu.vector_load %arg7[%get3A_242] {strides = array<i32>} : memref<13312xf32, #tpu.memory_space<vmem>>, vector<16xf32>,
      %get3A_244 = vector.shape_cast %get3A_243 : vector<16xf32> to vector<16xf32>
      %add3A_245 = arith.addf %add3A_239, %get3A_244 : vector<16xf32>
      %add3A_246 = arith.constant 12800 : i32
      %add3A_247 = arith.addi %add3A_246, %mul3A_113 : i32
      %get3A_248 = arith.index_cast %add3A_247 : i32 to index
      %get3A_249 = tpu.vector_load %arg7[%get3A_248] {strides = array<i32>} : memref<13312xf32, #tpu.memory_space<vmem>>, vector<16xf32>,
      %get3A_250 = vector.shape_cast %get3A_249 : vector<16xf32> to vector<16xf32>
      %add3A_251 = arith.addf %add3A_245, %get3A_250 : vector<16xf32>
      %add3A_252 = arith.constant 12928 : i32
      %add3A_253 = arith.addi %add3A_252, %mul3A_113 : i32
      %get3A_254 = arith.index_cast %add3A_253 : i32 to index
      %get3A_255 = tpu.vector_load %arg7[%get3A_254] {strides = array<i32>} : memref<13312xf32, #tpu.memory_space<vmem>>, vector<16xf32>,
      %get3A_256 = vector.shape_cast %get3A_255 : vector<16xf32> to vector<16xf32>
      %add3A_257 = arith.addf %add3A_251, %get3A_256 : vector<16xf32>
      %add3A_258 = arith.constant 13056 : i32
      %add3A_259 = arith.addi %add3A_258, %mul3A_113 : i32
      %get3A_260 = arith.index_cast %add3A_259 : i32 to index
      %get3A_261 = tpu.vector_load %arg7[%get3A_260] {strides = array<i32>} : memref<13312xf32, #tpu.memory_space<vmem>>, vector<16xf32>,
      %get3A_262 = vector.shape_cast %get3A_261 : vector<16xf32> to vector<16xf32>
      %add3A_263 = arith.addf %add3A_257, %get3A_262 : vector<16xf32>
      %add3A_264 = arith.constant 13184 : i32
      %add3A_265 = arith.addi %add3A_264, %mul3A_113 : i32
      %get3A_266 = arith.index_cast %add3A_265 : i32 to index
      %get3A_267 = tpu.vector_load %arg7[%get3A_266] {strides = array<i32>} : memref<13312xf32, #tpu.memory_space<vmem>>, vector<16xf32>,
      %get3A_268 = vector.shape_cast %get3A_267 : vector<16xf32> to vector<16xf32>
      %add3A_269 = arith.addf %add3A_263, %get3A_268 : vector<16xf32>
      %add3A_270 = arith.constant 384 : i32
      %add3A_271 = arith.addi %add3A_270, %mul3A_113 : i32
      %swap3A = arith.index_cast %add3A_271 : i32 to index
      %swap3A_272 = tpu.vector_load %arg8[%swap3A] {strides = array<i32>} : memref<512xf32, #tpu.memory_space<vmem>>, vector<16xf32>,
      %swap3A_273 = vector.shape_cast %swap3A_272 : vector<16xf32> to vector<16xf32>
      %swap3A_274 = vector.shape_cast %add3A_269 : vector<16xf32> to vector<16xf32>
      tpu.vector_store %arg8[%swap3A], %swap3A_274 {strides = array<i32>} : memref<512xf32, #tpu.memory_space<vmem>>, vector<16xf32>,
      %scan3A_275 = arith.constant 0 : i32
      scf.yield %scan3A_275 : i32
    }
    %scan3A_107 = arith.constant 8 : i32
    %mul3A_108 = arith.constant 512 : i32
    %mul3A_109 = arith.muli %add3A, %mul3A_108 : i32
    "tpu.region"() ({
      %run_scoped3A = tpu.sem_alloc : memref<!tpu.dma_semaphore, #tpu.memory_space<semaphore_mem>>
      %dma_start3A_110 = tpu.memref_slice %arg5[%mul3A_109] : memref<16384xf32, #tpu.memory_space<hbm>> -> memref<512xf32, #tpu.memory_space<hbm>>
      %dma_start3A_111 = tpu.memref_slice %arg5[%mul3A_109] : memref<16384xf32, #tpu.memory_space<hbm>> -> memref<512xf32, #tpu.memory_space<hbm>>
      tpu.enqueue_dma source(%arg8 : memref<512xf32, #tpu.memory_space<vmem>>) target(%dma_start3A_111 : memref<512xf32, #tpu.memory_space<hbm>>) target_semaphore(%run_scoped3A : memref<!tpu.dma_semaphore, #tpu.memory_space<semaphore_mem>>)
      %dma_wait3A_112 = tpu.memref_slice %arg5[%mul3A_109] : memref<16384xf32, #tpu.memory_space<hbm>> -> memref<512xf32, #tpu.memory_space<hbm>>
      %dma_wait3A_113 = tpu.memref_slice %arg5[%mul3A_109] : memref<16384xf32, #tpu.memory_space<hbm>> -> memref<512xf32, #tpu.memory_space<hbm>>
      tpu.wait_dma2 semaphore(%run_scoped3A : memref<!tpu.dma_semaphore, #tpu.memory_space<semaphore_mem>>) src(%arg8 : memref<512xf32, #tpu.memory_space<vmem>>) dst(%dma_wait3A_113 : memref<512xf32, #tpu.memory_space<hbm>>)
      tpu.yield
    }) : () -> ()
    return
  }
}

</mosaic_0001>

<sc_bundles>
// kernel: kernel.3.cloned.1.call-start
scs
__scs_entry_jumppad:
0x0: {  	(pc) =	sbr.rel $0x88, $3  }
0x1: {  	(tag) =	ssettag $0x0;
	lr =	simm.s32 $0x1  }
0x2: {  	[smem:$0x3F9D] =	sst lr;
	_ =	strace $0xD0000000  }
0x3: {  	_ = 	snop  }
0x4: {  	_ = 	snop  }
0x5: {  	_ = 	snop  }
0x6: {  	_ = 	snop  }
0x7: {  	_ = 	snop  }
__scs_overlays_trampoline_lowered:
0x8: {  	[smem:$0x3FAC] =	sst s0  }
0x9: {  	[smem:$0x3FAD] =	sst s1  }
0xa: {  	[smem:$0x3FAE] =	sst s2  }
0xb: {  	[smem:$0x3FAF] =	sst s3  }
0xc: {  	[smem:$0x3FB0] =	sst s4  }
0xd: {  	[smem:$0x3FB1] =	sst s5  }
0xe: {  	[smem:$0x3FB2] =	sst s6  }
0xf: {  	[smem:$0x3FB3] =	sst s7  }
0x10: {  	[smem:$0x3FB4] =	sst s8  }
0x11: {  	[smem:$0x3FB5] =	sst s9;
	s0 =	simm.s32 @!p0 $0x0  }
0x12: {  	s1 =	sld [smem:$0x3F9B];
	s0 =	simm.s32 @p0 $0x1  }
0x13: {  	[smem:$0x3FB6] =	sst s0;
	s0 =	simm.s32 @!p1 $0x0  }
0x14: {  	s2 =	sld [smem:$0x3F9A];
	s0 =	simm.s32 @p1 $0x1  }
0x15: {  	[smem:$0x3FB7] =	sst s0;
	s0 =	simm.s32 @!p2 $0x0  }
0x16: {  	s3 =	sld [smem:$0x3FDB];
	s0 =	simm.s32 @p2 $0x1  }
0x17: {  	s4 =	simm.s32 $0x1BF5;
	[smem:$0x3FB9] =	sst s0  }
0x18: {  	s0 =	sld [smem:$0x3F9C];
	_ =	swait.ge [sflag:s4], $0x0  }
0x19: {  	s7 =	sld [smem:$0x3F9D]  }
0x1a: {  	s8 =	sadd.s32 $0xFFFFE003, lr  }
0x1b: {  	s9 =	sadd.s32 $0xFFFFFEF7, lr;
	s5 =	simm.s32 $0xFFFFFFFF;
	p2 =	slt.u32 s8, $0xFFFFF086  }
0x1c: {  	p1 =	slt.u32 s9, $0xF7A;
	s5 =	simm.s32 @!p2 $0x0  }
0x1d: {  	s5 =	simm.s32 @p1 $0x1;
	p0 =	seq.s32 s7, s2  }
0x1e: {  	s7 =	smul.u32 @!p0 $0xF7A, s2;
	p2 =	seq.s32 @!p0 s5, $0x0  }
0x1f: {  	s9 =	smul.u32 $0xF7A, s1;
	s8 =	simm.s32 @!p0 $0x1BF5;
	p2 =	por !p2, p0  }
0x20: {  	[sflag:s8] =	ssyncset.s32 @!p0 $0xFFFFF086;
	s6 =	sadd.s32 @!p0 s3, s7;
	s7 =	simm.s32 @!p0 $0x108  }
0x21: {  	s3 =	sadd.s32 s3, s9;
	s6 =	sadd.s32 @!p0 $0x88, s6;
	s7 =	simm.s32 @p2 $0x1082  }
0x22: {  	[simem:s7], [sflag:s8] =	dma.local @!p0 [hbm:s6], $0xF7A  }
0x23: {  	s9 =	sor.u32 $0xD0000000, s2;
	s6 =	simm.s32 $0x108;
	_ =	swait.ge @!p0 [sflag:s8], $0x0  }
0x24: {  	s3 =	sadd.s32 $0x88, s3;
	s6 =	simm.s32 @!p1 $0x1082;
	[sflag:s4] =	ssyncset.s32 $0xFFFFF086  }
0x25: {  	[simem:s6], [sflag:s4] =	dma.local [hbm:s3], $0xF7A  }
0x26: {  	[smem:$0x3F9D] =	sst s1;
	(tag) =	ssettag s2;
	_ =	strace s9  }
0x27: {  	s1 =	sld [smem:$0x3FAD]  }
0x28: {  	s2 =	sld [smem:$0x3FAE]  }
0x29: {  	s4 =	sld [smem:$0x3FB0]  }
0x2a: {  	p0 =	seq.s32 s5, $0x0;
	s5 =	sld [smem:$0x3FB1]  }
0x2b: {  	s6 =	sld [smem:$0x3FB2]  }
0x2c: {  	s7 =	sld [smem:$0x3FB3]  }
0x2d: {  	s3 =	simm.s32 $0x108;
	s8 =	sld [smem:$0x3FB4]  }
0x2e: {  	s3 =	simm.s32 @!p0 $0x1082;
	s9 =	sld [smem:$0x3FB5]  }
0x2f: {  	lr =	sadd.s32 s0, s3;
	s0 =	sld [smem:$0x3FAC]  }
0x30: {  	s3 =	sld [smem:$0x3FAF]  }
0x31: {  	[smem:$0x3FB8] =	sst s10  }
0x32: {  	s10 =	sld [smem:$0x3FB6];
	_ =	sdelay $0x3  }
0x33: {  	p0 =	seq.s32 s10, $0x1;
	s10 =	sld [smem:$0x3FB8];
	_ =	sdelay $0x3  }
0x34: {  	[smem:$0x3FB8] =	sst s10  }
0x35: {  	s10 =	sld [smem:$0x3FB7];
	_ =	sdelay $0x3  }
0x36: {  	p1 =	seq.s32 s10, $0x1;
	s10 =	sld [smem:$0x3FB8];
	_ =	sdelay $0x3  }
0x37: {  	[smem:$0x3FB8] =	sst s10  }
0x38: {  	s10 =	sld [smem:$0x3FB9]  }
0x39: {  	_ = 	snop;
	(pc) =	sbr.ind lr, $3  }
0x3a: {  	_ = 	snop  }
0x3b: {  	_ = 	snop  }
0x3c: {  	p2 =	seq.s32 s10, $0x1;
	s10 =	sld [smem:$0x3FB8]  }
0x3d: {  	_ =	shalt  }
0x3e: {  	_ =	shalt  }
0x3f: {  	_ =	shalt  }
0x40: {  	_ =	shalt  }
0x41: {  	_ =	shalt  }
0x42: {  	_ =	shalt  }
0x43: {  	_ =	shalt  }
0x44: {  	_ =	shalt  }
0x45: {  	_ =	shalt  }
0x46: {  	_ =	shalt  }
0x47: {  	_ =	shalt  }
0x48: {  	_ =	shalt  }
0x49: {  	_ =	shalt  }
0x4a: {  	_ =	shalt  }
0x4b: {  	_ =	shalt  }
0x4c: {  	_ =	shalt  }
0x4d: {  	_ =	shalt  }
0x4e: {  	_ =	shalt  }
0x4f: {  	_ =	shalt  }
0x50: {  	_ =	shalt  }
0x51: {  	_ =	shalt  }
0x52: {  	_ =	shalt  }
0x53: {  	_ =	shalt  }
0x54: {  	_ =	shalt  }
0x55: {  	_ =	shalt  }
0x56: {  	_ =	shalt  }
0x57: {  	_ =	shalt  }
0x58: {  	_ =	shalt  }
0x59: {  	_ =	shalt  }
0x5a: {  	_ =	shalt  }
0x5b: {  	_ =	shalt  }
0x5c: {  	_ =	shalt  }
0x5d: {  	_ =	shalt  }
0x5e: {  	_ =	shalt  }
0x5f: {  	_ =	shalt  }
0x60: {  	_ =	shalt  }
0x61: {  	_ =	shalt  }
0x62: {  	_ =	shalt  }
0x63: {  	_ =	shalt  }
0x64: {  	_ =	shalt  }
0x65: {  	_ =	shalt  }
0x66: {  	_ =	shalt  }
0x67: {  	_ =	shalt  }
0x68: {  	_ =	shalt  }
0x69: {  	_ =	shalt  }
0x6a: {  	_ =	shalt  }
0x6b: {  	_ =	shalt  }
0x6c: {  	_ =	shalt  }
0x6d: {  	_ =	shalt  }
0x6e: {  	_ =	shalt  }
0x6f: {  	_ =	shalt  }
0x70: {  	_ =	shalt  }
0x71: {  	_ =	shalt  }
0x72: {  	_ =	shalt  }
0x73: {  	_ =	shalt  }
0x74: {  	_ =	shalt  }
0x75: {  	_ =	shalt  }
0x76: {  	_ =	shalt  }
0x77: {  	_ =	shalt  }
0x78: {  	_ =	shalt  }
0x79: {  	_ =	shalt  }
0x7a: {  	_ =	shalt  }
0x7b: {  	_ =	shalt  }
0x7c: {  	_ =	shalt  }
0x7d: {  	_ =	shalt  }
0x7e: {  	_ =	shalt  }
0x7f: {  	_ =	shalt  }
0x80: {  	_ =	shalt  }
0x81: {  	_ =	shalt  }
0x82: {  	_ =	shalt  }
0x83: {  	_ =	shalt  }
0x84: {  	_ =	shalt  }
0x85: {  	_ =	shalt  }
0x86: {  	_ =	shalt  }
0x87: {  	_ =	shalt  }
.Lfunc_end0:
.L_simem_size_0:
called_computation_lowered:
.L_overlay_start_0:
0x88: {  	s2 =	sld [smem:$0x3FD9]  }
0x89: {  	s3 =	sld [smem:$0x3FFE];
	_ =	sdelay $0x1  }
0x8a: {  	s1 =	srdreg.scid  }
0x8b: {  	s0 =	sand.u32 $0x1, s1  }
0x8c: {  	s17 =	sshll.u32 s0, $0xA;
	s2 =	sadd.s32 s3, s2  }
0x8d: {  	s2 =	sadd.s32 s2, s17  }
0x8e: {  	[smem:$0x3FC4] =	sst s2  }
0x8f: {  	_ = 	snop  }
0x90: {  	s2 =	sld [smem:$0x3FD0];
	(tm) =	ssettm $0x1  }
0x91: {  	s18 =	sld [smem:$0x3FFB];
	_ =	sdelay $0x3  }
0x92: {  	_ =	strace s18  }
0x93: {  	s3 =	sld [smem:$0x3FFC];
	_ =	sdelay $0x3  }
0x94: {  	_ =	strace s3  }
0x95: {  	s3 =	sld [smem:$0x3FFD];
	_ =	sdelay $0x3  }
0x96: {  	_ =	strace s3  }
0x97: {  	_ =	strace $0x8FFFFFFF  }
0x98: {  	s19 =	sld [smem:$0x3FDB];
	_ =	sdelay $0x1  }
0x99: {  	s4 =	simm.s32 $_scs_section_size  }
0x9a: {  	s5 =	simm.s32 $_size__tile_overlayer_lowered;
	s6 =	simm.s32 $_tile_overlayer_lowered  }
0x9b: {  	s22 =	simm.s32 $0x1BFF;
	s21 =	sshll.u32 s6, $0x1;
	s3 =	sadd.s32 s4, s19  }
0x9c: {  	s7 =	simm.s32 $0x0;
	s20 =	sshll.u32 s5, $0x1;
	s5 =	sadd.s32 s21, s3  }
0x9d: {  	[timem:s7], [sflag:s22] =	dma.local [hbm:s5], s20  }
0x9e: {  	_ =	swait.ge [sflag:s22], s20  }
0x9f: {  	s4 =	ssub.s32 $0x0, s20;
	[sflag:s22] =	ssyncset.done $0x0  }
0xa0: {  	[sflag:s22] =	ssyncadd.s32 s4;
	_ =	sdelay $0x1  }
0xa1: {  	s23 =	simm.s32 $0x1B8B  }
0xa2: {  	_ =	swait.ge [sflag:s23], $0x1  }
0xa3: {  	[sflag:s23] =	ssyncset.done $0x0  }
0xa4: {  	s25 =	simm.s32 $0x1B8E;
	s24 =	sld [smem:$0x3FFE];
	[sflag:s23] =	ssyncadd.s32 $0xFFFFFFFF  }
0xa5: {  	s26 =	simm.s32 $execute0_lowered;
	[smem:$0x3FD2] =	sst s25  }
0xa6: {  	s5 =	sshll.u32 s26, $0x1;
	_ =	strace $0x80000046;
	[dreg:$0x1] =	wrdreg $0xFFFFFFFF  }
0xa7: {  	s28 =	simm.s32 $_size_execute0_lowered;
	s3 =	sadd.s32 s3, s5;
	[dreg:$0x0] =	wrdreg $0x0  }
0xa8: {  	s5 =	sshll.u32 s28, $0x1;
	[dreg:$0x2] =	wrdreg s3  }
0xa9: {  	[dreg:$0x3] =	wrdreg s5  }
0xaa: {  	[dreg:$0x4] =	wrdreg $0xC0  }
0xab: {  	_ =	task [dreg:s7], $0x5FFFF  }
0xac: {  	[dreg:$0x1] =	wrdreg $0xFFFFFFFF  }
0xad: {  	[dreg:$0x0] =	wrdreg $0x60  }
0xae: {  	[dreg:$0x2] =	wrdreg s24  }
0xaf: {  	[dreg:$0x3] =	wrdreg s2  }
0xb0: {  	[dreg:$0x4] =	wrdreg $0x9  }
0xb1: {  	_ =	task.clear_ibuf [dreg:s7], $0x5FFFF;
	_ =	strace $0x90000046  }
0xb2: {  	s29 =	simm.s32 $0x9;
	_ =	strace $0x80000048  }
0xb3: {  	_ =	swait.ge [sflag:s29], $0x1  }
0xb4: {  	[sflag:s29] =	ssyncadd.s32 $0xFFFFFFFF  }
0xb5: {  	_ =	strace $0x90000048  }
0xb6: {  	_ =	sfence  }
0xb7: {  	s30 =	sld [smem:$0x0];
	_ =	sdelay $0x2  }
0xb8: {  	s31 =	sshll.u32 s1, $0xD;
	s1 =	sshrl.u32 s1, $0x2  }
0xb9: {  	s3 =	sand.u32 $0x4000, s31;
	s1 =	sadd.s32 s1, s30  }
0xba: {  	s0 =	sor.u32 s3, s0;
	s1 =	sshll.u32 s1, $0x11  }
0xbb: {  	s0 =	sor.u32 s1, s0  }
0xbc: {  	s0 =	sadd.s32 $0x8F2B, s0  }
0xbd: {  	[sflag:s0] =	ssyncadd.remote.s32 $0x1  }
0xbe: {  	_ =	sfence.sel $0xFFFF  }
0xbf: {  	[dreg:$0x0] =	wrdreg $0xFFFFFFFF;
	(pc) =	sbr.abs _section_cstart, $3  }
0xc0: {  	[dreg:$0x1] =	wrdreg $0xFFFFFFFF  }
0xc1: {  	_ =	task.clear_ibuf [dreg:s7], $0x2FFFF;
	_ =	strace $0x9FFFFFFF  }
0xc2: {  	(tm) =	ssettm $0x7FFFFFFF  }
0xc3: {  	_ =	shalt  }
tec
execute0_lowered:
.L_overlay_start_1:
0x0: {  	(tag) =	ssettag $0x1  }
0x1: {  	s4 =	rddreg [dreg:$0x0];
	s1 =	srdreg.scid  }
0x2: {  	s0 =	stileid.u32;
	s6 =	rddreg [dreg:$0x1]  }
0x3: {  	s2 =	simm.s32 $0x0;
	s10 =	simm.s32 $0xD00;
	s11 =	simm.s32 $0x3400  }
0x4: {  	s12 =	simm.s32 $0x4100;
	s13 =	simm.s32 $0x1A00;
	s14 =	simm.s32 $0x4E00  }
0x5: {  	s15 =	simm.s32 $0x2700;
	s16 =	simm.s32 $0x5B00;
	s17 =	simm.s32 $0x1  }
0x6: {  	s18 =	simm.s32 $0x2;
	s19 =	simm.s32 $0x3;
	s20 =	simm.s32 $0x4  }
0x7: {  	s21 =	simm.s32 $0x6800;
	s3 =	sand.u32 $0x1, s1;
	s1 =	rddreg [dreg:$0x2]  }
0x8: {  	s22 =	simm.s32 $0x0;
	s5 =	sshll.u32 s0, $0x1;
	[smem:$0x7FF] =	sst s2  }
0x9: {  	s5 =	sor.u32 s3, s5;
	_ =	strace $0x80000047;
	s8 =	ssub.s32 $0x2, s3  }
0xa: {  	s7 =	smul.u32 $0x680, s5;
	s9 =	sshrl.u32 s8, $0x1;
	s31 =	sshll.u32 s5, $0x6  }
0xb: {  	s3 =	sadd.s32 $0xD600, s4;
	s8 =	ssub.s32 s8, s9;
	s6 =	sadd.s32 s6, s31  }
0xc: {  	s9 =	simm.s32 $0x6A00;
	s7 =	sadd.s32 s7, s4;
	s4 =	sadd.s32 $0x5CC00, s4  }
0xd: {  	s5 =	sadd.s32 $0x600, s7;
	s7 =	smax.u32 s8, $0x1;
	s8 =	simm.s32 $0x5  }
.LBB2_1:
0xe: {  	[tilespmem:s2], [sflag:$0x5] =	stream.linear.gather [hbm4b:s5+s2], $0x3400, $0x38;
	[tilespmem:$0x6A10] =	vst v63  }
0xf: {  	_ =	swait.ge [sflag:s8], $0x3400  }
0x10: {  	[sflag:s8] =	ssyncset.done $0x0  }
0x11: {  	[sflag:s8] =	ssyncadd.s32 $0xFFFFCC00  }
0x12: {  	[tilespmem:s9], [sflag:$0x5] =	stream.linear.gather [hbm4b:s4+s2], $0x10, $0x38;
	[tilespmem:$0x6A10] =	vst v63  }
0x13: {  	_ =	swait.ge [sflag:s8], $0x10  }
0x14: {  	[sflag:s8] =	ssyncset.done $0x0  }
0x15: {  	[sflag:s8] =	ssyncadd.s32 $0xFFFFFFF0  }
0x16: {  	[tilespmem:s11], [sflag:$0x1] =	stream.indirect.gather [hbm4b:s3+s10], $0x1, s2, s10, $0xb8;
	[tilespmem:$0x6A10] =	vst v63  }
0x17: {  	_ = 	snop  }
0x18: {  	[tilespmem:s12], [sflag:$0x2] =	stream.indirect.gather [hbm4b:s3+s10], $0x1, s10, s10, $0xb8;
	[tilespmem:$0x6A10] =	vst v63  }
0x19: {  	_ = 	snop  }
0x1a: {  	[tilespmem:s14], [sflag:$0x3] =	stream.indirect.gather [hbm4b:s3+s10], $0x1, s13, s10, $0xb8;
	[tilespmem:$0x6A10] =	vst v63  }
0x1b: {  	_ = 	snop  }
0x1c: {  	[tilespmem:s16], [sflag:$0x4] =	stream.indirect.gather [hbm4b:s3+s10], $0x1, s15, s10, $0xb8;
	[tilespmem:$0x6A10] =	vst v63  }
0x1d: {  	v0 =	vld [tilespmem:$0x6A00];
	_ =	swait.ge [sflag:s17], $0xD00  }
0x1e: {  	[sflag:s17] =	ssyncset.done $0x0  }
0x1f: {  	s24 =	simm.s32 $0x0;
	[sflag:s17] =	ssyncadd.s32 $0xFFFFF300  }
0x20: {  	v1 =	vld [tilespmem:s24+$0x3400];
	_ =	sdelay $0x1  }
0x21: {  	v2 =	vld [tilespmem:s24+$0x3480];
	_ =	sdelay $0x1  }
0x22: {  	v3 =	vld [tilespmem:s24+$0x3500]  }
0x23: {  	v1 =	vadd.f32 v1, v0  }
0x24: {  	v4 =	vld [tilespmem:s24+$0x3580]  }
0x25: {  	v1 =	vadd.f32 v2, v1  }
0x26: {  	v2 =	vld [tilespmem:s24+$0x3600]  }
0x27: {  	v1 =	vadd.f32 v3, v1  }
0x28: {  	v3 =	vld [tilespmem:s24+$0x3680]  }
0x29: {  	v1 =	vadd.f32 v4, v1  }
0x2a: {  	v4 =	vld [tilespmem:s24+$0x3700]  }
0x2b: {  	v1 =	vadd.f32 v2, v1  }
0x2c: {  	v2 =	vld [tilespmem:s24+$0x3780]  }
0x2d: {  	v1 =	vadd.f32 v3, v1  }
0x2e: {  	v3 =	vld [tilespmem:s24+$0x3800]  }
0x2f: {  	v1 =	vadd.f32 v4, v1  }
0x30: {  	v4 =	vld [tilespmem:s24+$0x3880]  }
0x31: {  	v1 =	vadd.f32 v2, v1  }
0x32: {  	v2 =	vld [tilespmem:s24+$0x3900]  }
0x33: {  	v1 =	vadd.f32 v3, v1  }
0x34: {  	v3 =	vld [tilespmem:s24+$0x3980]  }
0x35: {  	v1 =	vadd.f32 v4, v1  }
0x36: {  	s23 =	simm.s32 $0x10;
	v4 =	vld [tilespmem:s24+$0x3A00]  }
0x37: {  	v5 =	vld [tilespmem:s23+$0x3400];
	v1 =	vadd.f32 v2, v1  }
0x38: {  	v2 =	vld [tilespmem:s24+$0x3A80]  }
0x39: {  	v6 =	vld [tilespmem:s23+$0x3480];
	v1 =	vadd.f32 v3, v1  }
0x3a: {  	v3 =	vld [tilespmem:s24+$0x3B00]  }
0x3b: {  	v7 =	vld [tilespmem:s23+$0x3500];
	v1 =	vadd.f32 v4, v1  }
0x3c: {  	v4 =	vld [tilespmem:s24+$0x3B80]  }
0x3d: {  	v8 =	vld [tilespmem:s23+$0x3580];
	v5 =	vadd.f32 v5, v0;
	v1 =	vadd.f32 v2, v1  }
0x3e: {  	v2 =	vld [tilespmem:s24+$0x3C00]  }
0x3f: {  	v5 =	vadd.f32 v6, v5;
	v6 =	vld [tilespmem:s23+$0x3600];
	v1 =	vadd.f32 v3, v1  }
0x40: {  	v3 =	vld [tilespmem:s24+$0x3C80]  }
0x41: {  	v5 =	vadd.f32 v7, v5;
	v7 =	vld [tilespmem:s23+$0x3680];
	v1 =	vadd.f32 v4, v1  }
0x42: {  	v4 =	vld [tilespmem:s24+$0x3D00]  }
0x43: {  	v5 =	vadd.f32 v8, v5;
	v8 =	vld [tilespmem:s23+$0x3700];
	v1 =	vadd.f32 v2, v1  }
0x44: {  	v2 =	vld [tilespmem:s24+$0x3D80]  }
0x45: {  	v5 =	vadd.f32 v6, v5;
	v6 =	vld [tilespmem:s23+$0x3780];
	v1 =	vadd.f32 v3, v1  }
0x46: {  	v3 =	vld [tilespmem:s24+$0x3E00]  }
0x47: {  	v5 =	vadd.f32 v7, v5;
	v7 =	vld [tilespmem:s23+$0x3800];
	v1 =	vadd.f32 v4, v1  }
0x48: {  	v4 =	vld [tilespmem:s24+$0x3E80]  }
0x49: {  	v5 =	vadd.f32 v8, v5;
	v8 =	vld [tilespmem:s23+$0x3880];
	v1 =	vadd.f32 v2, v1  }
0x4a: {  	v2 =	vld [tilespmem:s24+$0x3F00]  }
0x4b: {  	v9 =	vld [tilespmem:s24+$0x3F80];
	v5 =	vadd.f32 v6, v5;
	v1 =	vadd.f32 v3, v1  }
0x4c: {  	v3 =	vld [tilespmem:s23+$0x3900]  }
0x4d: {  	v5 =	vadd.f32 v7, v5;
	v6 =	vadd.f32 v4, v1;
	v1 =	vld [tilespmem:s24+$0x4000]  }
0x4e: {  	v4 =	vld [tilespmem:s23+$0x3980]  }
0x4f: {  	v7 =	vadd.f32 v8, v5;
	v5 =	vld [tilespmem:s23+$0x3A00];
	v8 =	vadd.f32 v2, v6  }
0x50: {  	v2 =	vld [tilespmem:s24+$0x4080]  }
0x51: {  	s25 =	simm.s32 $0x20;
	s26 =	simm.s32 $0xC0;
	v6 =	vadd.f32 v3, v7;
	v3 =	vld [tilespmem:s23+$0x3A80];
	v7 =	vadd.f32 v9, v8  }
.LBB2_2:
0x52: {  	p0 =	sne.s32 s26, $0x1C0;
	v8 =	vld [tilespmem:s25+$0x3400]  }
0x53: {  	v4 =	vadd.f32 v4, v6;
	v6 =	vld [tilespmem:s23+$0x3B00];
	v1 =	vadd.f32 v1, v7  }
0x54: {  	v7 =	vld [tilespmem:s25+$0x3480]  }
0x55: {  	v4 =	vadd.f32 v5, v4;
	v5 =	vld [tilespmem:s23+$0x3B80];
	v1 =	vadd.f32 v2, v1  }
0x56: {  	v2 =	vld [tilespmem:s25+$0x3500]  }
0x57: {  	v8 =	vadd.f32 v8, v0;
	v3 =	vadd.f32 v3, v4;
	v4 =	vld [tilespmem:s23+$0x3C00];
	[tilespmem:s24+$0x6800] =	vst v1;
	s24 =	smov.u32 s23;
	s23 =	smov.u32 s25  }
0x58: {  	v1 =	vld [tilespmem:s23+$0x3580]  }
0x59: {  	v7 =	vadd.f32 v7, v8;
	v3 =	vadd.f32 v6, v3;
	v6 =	vld [tilespmem:s24+$0x3C80]  }
0x5a: {  	v8 =	vld [tilespmem:s23+$0x3600]  }
0x5b: {  	v2 =	vadd.f32 v2, v7;
	v3 =	vadd.f32 v5, v3;
	v5 =	vld [tilespmem:s24+$0x3D00]  }
0x5c: {  	v7 =	vld [tilespmem:s23+$0x3680]  }
0x5d: {  	v1 =	vadd.f32 v1, v2;
	v2 =	vadd.f32 v4, v3;
	v3 =	vld [tilespmem:s24+$0x3D80]  }
0x5e: {  	v4 =	vld [tilespmem:s23+$0x3700]  }
0x5f: {  	v1 =	vadd.f32 v8, v1;
	v2 =	vadd.f32 v6, v2;
	v6 =	vld [tilespmem:s24+$0x3E00]  }
0x60: {  	v8 =	vld [tilespmem:s23+$0x3780]  }
0x61: {  	v1 =	vadd.f32 v7, v1;
	v2 =	vadd.f32 v5, v2;
	v5 =	vld [tilespmem:s24+$0x3E80]  }
0x62: {  	v7 =	vld [tilespmem:s23+$0x3800]  }
0x63: {  	v1 =	vadd.f32 v4, v1;
	v2 =	vadd.f32 v3, v2;
	v3 =	vld [tilespmem:s24+$0x3F00]  }
0x64: {  	v9 =	vld [tilespmem:s23+$0x3880]  }
0x65: {  	v1 =	vadd.f32 v8, v1;
	v2 =	vadd.f32 v6, v2;
	v8 =	vld [tilespmem:s24+$0x3F80]  }
0x66: {  	v6 =	vld [tilespmem:s23+$0x3900]  }
.Ltmp0:
0x67: {  	v7 =	vadd.f32 v7, v1;
	v2 =	vadd.f32 v5, v2;
	v1 =	vld [tilespmem:s24+$0x4000];
	(pc) =	sbr.rel @p0 .LBB2_2-.Ltmp0, $4  }
0x68: {  	v4 =	vld [tilespmem:s23+$0x3980]  }
0x69: {  	v7 =	vadd.f32 v9, v7;
	v9 =	vadd.f32 v3, v2;
	v2 =	vld [tilespmem:s24+$0x4080]  }
0x6a: {  	v5 =	vld [tilespmem:s23+$0x3A00]  }
0x6b: {  	s25 =	sshra.s32 s26, $0x2;
	s26 =	sadd.s32 $0x40, s26;
	v6 =	vadd.f32 v6, v7;
	v3 =	vld [tilespmem:s23+$0x3A80];
	v7 =	vadd.f32 v8, v9  }
0x6c: {  	v8 =	vld [tilespmem:s25+$0x3400]  }
0x6d: {  	v9 =	vld [tilespmem:s23+$0x3B00];
	v1 =	vadd.f32 v1, v7  }
0x6e: {  	v7 =	vld [tilespmem:s25+$0x3480]  }
0x6f: {  	v10 =	vld [tilespmem:s23+$0x3B80];
	v4 =	vadd.f32 v4, v6;
	v1 =	vadd.f32 v2, v1  }
0x70: {  	v2 =	vld [tilespmem:s25+$0x3500]  }
0x71: {  	v6 =	vld [tilespmem:s23+$0x3C00];
	v4 =	vadd.f32 v5, v4;
	v5 =	vadd.f32 v8, v0;
	[tilespmem:s24+$0x6800] =	vst v1  }
0x72: {  	v1 =	vld [tilespmem:s25+$0x3580]  }
0x73: {  	v3 =	vadd.f32 v3, v4;
	v4 =	vadd.f32 v7, v5  }
0x74: {  	v5 =	vld [tilespmem:s25+$0x3600]  }
0x75: {  	v3 =	vadd.f32 v9, v3;
	v7 =	vld [tilespmem:s23+$0x3C80];
	v2 =	vadd.f32 v2, v4  }
0x76: {  	v4 =	vld [tilespmem:s25+$0x3680]  }
0x77: {  	v8 =	vld [tilespmem:s23+$0x3D00];
	v3 =	vadd.f32 v10, v3;
	v1 =	vadd.f32 v1, v2  }
0x78: {  	v2 =	vld [tilespmem:s25+$0x3700]  }
0x79: {  	v3 =	vadd.f32 v6, v3;
	v6 =	vld [tilespmem:s23+$0x3D80];
	v1 =	vadd.f32 v5, v1  }
0x7a: {  	v5 =	vld [tilespmem:s25+$0x3780]  }
0x7b: {  	v3 =	vadd.f32 v7, v3;
	v7 =	vld [tilespmem:s23+$0x3E00];
	v1 =	vadd.f32 v4, v1  }
0x7c: {  	v4 =	vld [tilespmem:s25+$0x3800]  }
0x7d: {  	v3 =	vadd.f32 v8, v3;
	v8 =	vld [tilespmem:s23+$0x3E80];
	v1 =	vadd.f32 v2, v1  }
0x7e: {  	v2 =	vld [tilespmem:s25+$0x3880]  }
0x7f: {  	v3 =	vadd.f32 v6, v3;
	v6 =	vld [tilespmem:s23+$0x3F00];
	v1 =	vadd.f32 v5, v1  }
0x80: {  	v5 =	vld [tilespmem:s25+$0x3900]  }
0x81: {  	v3 =	vadd.f32 v7, v3;
	v7 =	vld [tilespmem:s23+$0x3F80];
	v1 =	vadd.f32 v4, v1  }
0x82: {  	v4 =	vld [tilespmem:s25+$0x3980]  }
0x83: {  	v3 =	vadd.f32 v8, v3;
	v8 =	vld [tilespmem:s23+$0x4000];
	v1 =	vadd.f32 v2, v1  }
0x84: {  	v2 =	vld [tilespmem:s25+$0x3A00]  }
0x85: {  	v3 =	vadd.f32 v6, v3;
	v6 =	vld [tilespmem:s23+$0x4080];
	v1 =	vadd.f32 v5, v1  }
0x86: {  	v5 =	vld [tilespmem:s25+$0x3A80]  }
0x87: {  	v3 =	vadd.f32 v7, v3;
	v1 =	vadd.f32 v4, v1  }
0x88: {  	v4 =	vld [tilespmem:s25+$0x3B00]  }
0x89: {  	v3 =	vadd.f32 v8, v3;
	v1 =	vadd.f32 v2, v1  }
0x8a: {  	v2 =	vld [tilespmem:s25+$0x3B80]  }
0x8b: {  	v3 =	vadd.f32 v6, v3;
	v1 =	vadd.f32 v5, v1  }
0x8c: {  	v5 =	vld [tilespmem:s25+$0x3C00]  }
0x8d: {  	[tilespmem:s23+$0x6800] =	vst v3;
	v1 =	vadd.f32 v4, v1  }
0x8e: {  	v3 =	vld [tilespmem:s25+$0x3C80]  }
0x8f: {  	v1 =	vadd.f32 v2, v1  }
0x90: {  	v2 =	vld [tilespmem:s25+$0x3D00]  }
0x91: {  	v1 =	vadd.f32 v5, v1  }
0x92: {  	v4 =	vld [tilespmem:s25+$0x3D80]  }
0x93: {  	v1 =	vadd.f32 v3, v1  }
0x94: {  	v3 =	vld [tilespmem:s25+$0x3E00]  }
0x95: {  	v1 =	vadd.f32 v2, v1  }
0x96: {  	v2 =	vld [tilespmem:s25+$0x3E80]  }
0x97: {  	v1 =	vadd.f32 v4, v1  }
0x98: {  	v4 =	vld [tilespmem:s25+$0x3F00]  }
0x99: {  	v1 =	vadd.f32 v3, v1  }
0x9a: {  	v3 =	vld [tilespmem:s25+$0x3F80]  }
0x9b: {  	v1 =	vadd.f32 v2, v1  }
0x9c: {  	v2 =	vld [tilespmem:s25+$0x4000]  }
0x9d: {  	v1 =	vadd.f32 v4, v1  }
0x9e: {  	v4 =	vld [tilespmem:s25+$0x4080]  }
0x9f: {  	v1 =	vadd.f32 v3, v1;
	_ =	sdelay $0x1  }
0xa0: {  	v1 =	vadd.f32 v2, v1;
	_ =	sdelay $0x1  }
0xa1: {  	v1 =	vadd.f32 v4, v1;
	_ =	sdelay $0x1  }
0xa2: {  	[tilespmem:s25+$0x6800] =	vst v1  }
0xa3: {  	_ =	swait.ge [sflag:s18], $0xD00  }
0xa4: {  	[sflag:s18] =	ssyncset.done $0x0  }
0xa5: {  	s24 =	simm.s32 $0x0;
	[sflag:s18] =	ssyncadd.s32 $0xFFFFF300  }
0xa6: {  	v1 =	vld [tilespmem:s24+$0x4100];
	_ =	sdelay $0x1  }
0xa7: {  	v2 =	vld [tilespmem:s24+$0x4180];
	_ =	sdelay $0x1  }
0xa8: {  	v3 =	vld [tilespmem:s24+$0x4200]  }
0xa9: {  	v1 =	vadd.f32 v1, v0  }
0xaa: {  	v4 =	vld [tilespmem:s24+$0x4280]  }
0xab: {  	v1 =	vadd.f32 v2, v1  }
0xac: {  	v2 =	vld [tilespmem:s24+$0x4300]  }
0xad: {  	v1 =	vadd.f32 v3, v1  }
0xae: {  	v3 =	vld [tilespmem:s24+$0x4380]  }
0xaf: {  	v1 =	vadd.f32 v4, v1  }
0xb0: {  	v4 =	vld [tilespmem:s24+$0x4400]  }
0xb1: {  	v1 =	vadd.f32 v2, v1  }
0xb2: {  	v2 =	vld [tilespmem:s24+$0x4480]  }
0xb3: {  	v1 =	vadd.f32 v3, v1  }
0xb4: {  	v3 =	vld [tilespmem:s24+$0x4500]  }
0xb5: {  	v1 =	vadd.f32 v4, v1  }
0xb6: {  	v4 =	vld [tilespmem:s24+$0x4580]  }
0xb7: {  	v1 =	vadd.f32 v2, v1  }
0xb8: {  	v2 =	vld [tilespmem:s24+$0x4600]  }
0xb9: {  	v1 =	vadd.f32 v3, v1  }
0xba: {  	v3 =	vld [tilespmem:s24+$0x4680]  }
0xbb: {  	v1 =	vadd.f32 v4, v1  }
0xbc: {  	s23 =	simm.s32 $0x10;
	v4 =	vld [tilespmem:s24+$0x4700]  }
0xbd: {  	v5 =	vld [tilespmem:s23+$0x4100];
	v1 =	vadd.f32 v2, v1  }
0xbe: {  	v2 =	vld [tilespmem:s24+$0x4780]  }
0xbf: {  	v6 =	vld [tilespmem:s23+$0x4180];
	v1 =	vadd.f32 v3, v1  }
0xc0: {  	v3 =	vld [tilespmem:s24+$0x4800]  }
0xc1: {  	v7 =	vld [tilespmem:s23+$0x4200];
	v1 =	vadd.f32 v4, v1  }
0xc2: {  	v4 =	vld [tilespmem:s24+$0x4880]  }
0xc3: {  	v8 =	vld [tilespmem:s23+$0x4280];
	v5 =	vadd.f32 v5, v0;
	v1 =	vadd.f32 v2, v1  }
0xc4: {  	v2 =	vld [tilespmem:s24+$0x4900]  }
0xc5: {  	v5 =	vadd.f32 v6, v5;
	v6 =	vld [tilespmem:s23+$0x4300];
	v1 =	vadd.f32 v3, v1  }
0xc6: {  	v3 =	vld [tilespmem:s24+$0x4980]  }
0xc7: {  	v5 =	vadd.f32 v7, v5;
	v7 =	vld [tilespmem:s23+$0x4380];
	v1 =	vadd.f32 v4, v1  }
0xc8: {  	v4 =	vld [tilespmem:s24+$0x4A00]  }
0xc9: {  	v5 =	vadd.f32 v8, v5;
	v8 =	vld [tilespmem:s23+$0x4400];
	v1 =	vadd.f32 v2, v1  }
0xca: {  	v2 =	vld [tilespmem:s24+$0x4A80]  }
0xcb: {  	v5 =	vadd.f32 v6, v5;
	v6 =	vld [tilespmem:s23+$0x4480];
	v1 =	vadd.f32 v3, v1  }
0xcc: {  	v3 =	vld [tilespmem:s24+$0x4B00]  }
0xcd: {  	v5 =	vadd.f32 v7, v5;
	v7 =	vld [tilespmem:s23+$0x4500];
	v1 =	vadd.f32 v4, v1  }
0xce: {  	v4 =	vld [tilespmem:s24+$0x4B80]  }
0xcf: {  	v5 =	vadd.f32 v8, v5;
	v8 =	vld [tilespmem:s23+$0x4580];
	v1 =	vadd.f32 v2, v1  }
0xd0: {  	v2 =	vld [tilespmem:s24+$0x4C00]  }
0xd1: {  	v63 =	vld [tilespmem:s24+$0x4C80];
	v5 =	vadd.f32 v6, v5;
	v1 =	vadd.f32 v3, v1  }
0xd2: {  	v3 =	vld [tilespmem:s23+$0x4600]  }
0xd3: {  	v5 =	vadd.f32 v7, v5;
	v6 =	vadd.f32 v4, v1;
	v1 =	vld [tilespmem:s24+$0x4D00]  }
0xd4: {  	v4 =	vld [tilespmem:s23+$0x4680]  }
0xd5: {  	v7 =	vadd.f32 v8, v5;
	v5 =	vld [tilespmem:s23+$0x4700];
	v8 =	vadd.f32 v2, v6  }
0xd6: {  	v2 =	vld [tilespmem:s24+$0x4D80]  }
0xd7: {  	s26 =	simm.s32 $0xC0;
	s25 =	simm.s32 $0x20;
	v6 =	vadd.f32 v3, v7;
	v3 =	vld [tilespmem:s23+$0x4780];
	v7 =	vadd.f32 v63, v8  }
.LBB2_4:
0xd8: {  	p0 =	sne.s32 s26, $0x1C0;
	v8 =	vld [tilespmem:s25+$0x4100]  }
0xd9: {  	v4 =	vadd.f32 v4, v6;
	v6 =	vld [tilespmem:s23+$0x4800];
	v1 =	vadd.f32 v1, v7  }
0xda: {  	v7 =	vld [tilespmem:s25+$0x4180]  }
0xdb: {  	v4 =	vadd.f32 v5, v4;
	v5 =	vld [tilespmem:s23+$0x4880];
	v1 =	vadd.f32 v2, v1  }
0xdc: {  	v2 =	vld [tilespmem:s25+$0x4200]  }
0xdd: {  	v8 =	vadd.f32 v8, v0;
	v3 =	vadd.f32 v3, v4;
	v4 =	vld [tilespmem:s23+$0x4900];
	[tilespmem:s24+$0x6880] =	vst v1;
	s24 =	smov.u32 s23;
	s23 =	smov.u32 s25  }
0xde: {  	v1 =	vld [tilespmem:s23+$0x4280]  }
0xdf: {  	v7 =	vadd.f32 v7, v8;
	v3 =	vadd.f32 v6, v3;
	v6 =	vld [tilespmem:s24+$0x4980]  }
0xe0: {  	v8 =	vld [tilespmem:s23+$0x4300]  }
0xe1: {  	v2 =	vadd.f32 v2, v7;
	v3 =	vadd.f32 v5, v3;
	v5 =	vld [tilespmem:s24+$0x4A00]  }
0xe2: {  	v7 =	vld [tilespmem:s23+$0x4380]  }
0xe3: {  	v1 =	vadd.f32 v1, v2;
	v2 =	vadd.f32 v4, v3;
	v3 =	vld [tilespmem:s24+$0x4A80]  }
0xe4: {  	v4 =	vld [tilespmem:s23+$0x4400]  }
0xe5: {  	v1 =	vadd.f32 v8, v1;
	v2 =	vadd.f32 v6, v2;
	v6 =	vld [tilespmem:s24+$0x4B00]  }
0xe6: {  	v8 =	vld [tilespmem:s23+$0x4480]  }
0xe7: {  	v1 =	vadd.f32 v7, v1;
	v2 =	vadd.f32 v5, v2;
	v5 =	vld [tilespmem:s24+$0x4B80]  }
0xe8: {  	v7 =	vld [tilespmem:s23+$0x4500]  }
0xe9: {  	v1 =	vadd.f32 v4, v1;
	v2 =	vadd.f32 v3, v2;
	v3 =	vld [tilespmem:s24+$0x4C00]  }
0xea: {  	v9 =	vld [tilespmem:s23+$0x4580]  }
0xeb: {  	v1 =	vadd.f32 v8, v1;
	v2 =	vadd.f32 v6, v2;
	v8 =	vld [tilespmem:s24+$0x4C80]  }
0xec: {  	v6 =	vld [tilespmem:s23+$0x4600]  }
.Ltmp1:
0xed: {  	v7 =	vadd.f32 v7, v1;
	v2 =	vadd.f32 v5, v2;
	v1 =	vld [tilespmem:s24+$0x4D00];
	(pc) =	sbr.rel @p0 .LBB2_4-.Ltmp1, $4  }
0xee: {  	v4 =	vld [tilespmem:s23+$0x4680]  }
0xef: {  	v7 =	vadd.f32 v9, v7;
	v9 =	vadd.f32 v3, v2;
	v2 =	vld [tilespmem:s24+$0x4D80]  }
0xf0: {  	v5 =	vld [tilespmem:s23+$0x4700]  }
0xf1: {  	s25 =	sshra.s32 s26, $0x2;
	s26 =	sadd.s32 $0x40, s26;
	v6 =	vadd.f32 v6, v7;
	v3 =	vld [tilespmem:s23+$0x4780];
	v7 =	vadd.f32 v8, v9  }
0xf2: {  	v8 =	vld [tilespmem:s25+$0x4100]  }
0xf3: {  	v9 =	vld [tilespmem:s23+$0x4800];
	v1 =	vadd.f32 v1, v7  }
0xf4: {  	v7 =	vld [tilespmem:s25+$0x4180]  }
0xf5: {  	v10 =	vld [tilespmem:s23+$0x4880];
	v4 =	vadd.f32 v4, v6;
	v1 =	vadd.f32 v2, v1  }
0xf6: {  	v2 =	vld [tilespmem:s25+$0x4200]  }
0xf7: {  	v6 =	vld [tilespmem:s23+$0x4900];
	v4 =	vadd.f32 v5, v4;
	v5 =	vadd.f32 v8, v0;
	[tilespmem:s24+$0x6880] =	vst v1  }
0xf8: {  	v1 =	vld [tilespmem:s25+$0x4280]  }
0xf9: {  	v3 =	vadd.f32 v3, v4;
	v4 =	vadd.f32 v7, v5  }
0xfa: {  	v5 =	vld [tilespmem:s25+$0x4300]  }
0xfb: {  	v3 =	vadd.f32 v9, v3;
	v7 =	vld [tilespmem:s23+$0x4980];
	v2 =	vadd.f32 v2, v4  }
0xfc: {  	v4 =	vld [tilespmem:s25+$0x4380]  }
0xfd: {  	v8 =	vld [tilespmem:s23+$0x4A00];
	v3 =	vadd.f32 v10, v3;
	v1 =	vadd.f32 v1, v2  }
0xfe: {  	v2 =	vld [tilespmem:s25+$0x4400]  }
0xff: {  	v3 =	vadd.f32 v6, v3;
	v6 =	vld [tilespmem:s23+$0x4A80];
	v1 =	vadd.f32 v5, v1  }
0x100: {  	v5 =	vld [tilespmem:s25+$0x4480]  }
0x101: {  	v3 =	vadd.f32 v7, v3;
	v7 =	vld [tilespmem:s23+$0x4B00];
	v1 =	vadd.f32 v4, v1  }
0x102: {  	v4 =	vld [tilespmem:s25+$0x4500]  }
0x103: {  	v3 =	vadd.f32 v8, v3;
	v8 =	vld [tilespmem:s23+$0x4B80];
	v1 =	vadd.f32 v2, v1  }
0x104: {  	v2 =	vld [tilespmem:s25+$0x4580]  }
0x105: {  	v3 =	vadd.f32 v6, v3;
	v6 =	vld [tilespmem:s23+$0x4C00];
	v1 =	vadd.f32 v5, v1  }
0x106: {  	v5 =	vld [tilespmem:s25+$0x4600]  }
0x107: {  	v3 =	vadd.f32 v7, v3;
	v7 =	vld [tilespmem:s23+$0x4C80];
	v1 =	vadd.f32 v4, v1  }
0x108: {  	v4 =	vld [tilespmem:s25+$0x4680]  }
0x109: {  	v3 =	vadd.f32 v8, v3;
	v8 =	vld [tilespmem:s23+$0x4D00];
	v1 =	vadd.f32 v2, v1  }
0x10a: {  	v2 =	vld [tilespmem:s25+$0x4700]  }
0x10b: {  	v3 =	vadd.f32 v6, v3;
	v6 =	vld [tilespmem:s23+$0x4D80];
	v1 =	vadd.f32 v5, v1  }
0x10c: {  	v5 =	vld [tilespmem:s25+$0x4780]  }
0x10d: {  	v3 =	vadd.f32 v7, v3;
	v1 =	vadd.f32 v4, v1  }
0x10e: {  	v4 =	vld [tilespmem:s25+$0x4800]  }
0x10f: {  	v3 =	vadd.f32 v8, v3;
	v1 =	vadd.f32 v2, v1  }
0x110: {  	v2 =	vld [tilespmem:s25+$0x4880]  }
0x111: {  	v3 =	vadd.f32 v6, v3;
	v1 =	vadd.f32 v5, v1  }
0x112: {  	v5 =	vld [tilespmem:s25+$0x4900]  }
0x113: {  	[tilespmem:s23+$0x6880] =	vst v3;
	v1 =	vadd.f32 v4, v1  }
0x114: {  	v3 =	vld [tilespmem:s25+$0x4980]  }
0x115: {  	v1 =	vadd.f32 v2, v1  }
0x116: {  	v2 =	vld [tilespmem:s25+$0x4A00]  }
0x117: {  	v1 =	vadd.f32 v5, v1  }
0x118: {  	v4 =	vld [tilespmem:s25+$0x4A80]  }
0x119: {  	v1 =	vadd.f32 v3, v1  }
0x11a: {  	v3 =	vld [tilespmem:s25+$0x4B00]  }
0x11b: {  	v1 =	vadd.f32 v2, v1  }
0x11c: {  	v2 =	vld [tilespmem:s25+$0x4B80]  }
0x11d: {  	v1 =	vadd.f32 v4, v1  }
0x11e: {  	v4 =	vld [tilespmem:s25+$0x4C00]  }
0x11f: {  	v1 =	vadd.f32 v3, v1  }
0x120: {  	v3 =	vld [tilespmem:s25+$0x4C80]  }
0x121: {  	v1 =	vadd.f32 v2, v1  }
0x122: {  	v2 =	vld [tilespmem:s25+$0x4D00]  }
0x123: {  	v1 =	vadd.f32 v4, v1  }
0x124: {  	v4 =	vld [tilespmem:s25+$0x4D80]  }
0x125: {  	v1 =	vadd.f32 v3, v1;
	_ =	sdelay $0x1  }
0x126: {  	v1 =	vadd.f32 v2, v1;
	_ =	sdelay $0x1  }
0x127: {  	v1 =	vadd.f32 v4, v1;
	_ =	sdelay $0x1  }
0x128: {  	[tilespmem:s25+$0x6880] =	vst v1  }
0x129: {  	_ =	swait.ge [sflag:s19], $0xD00  }
0x12a: {  	[sflag:s19] =	ssyncset.done $0x0  }
0x12b: {  	s24 =	simm.s32 $0x0;
	[sflag:s19] =	ssyncadd.s32 $0xFFFFF300  }
0x12c: {  	v1 =	vld [tilespmem:s24+$0x4E00];
	_ =	sdelay $0x1  }
0x12d: {  	v2 =	vld [tilespmem:s24+$0x4E80];
	_ =	sdelay $0x1  }
0x12e: {  	v3 =	vld [tilespmem:s24+$0x4F00]  }
0x12f: {  	v1 =	vadd.f32 v1, v0  }
0x130: {  	v4 =	vld [tilespmem:s24+$0x4F80]  }
0x131: {  	v1 =	vadd.f32 v2, v1  }
0x132: {  	v2 =	vld [tilespmem:s24+$0x5000]  }
0x133: {  	v1 =	vadd.f32 v3, v1  }
0x134: {  	v3 =	vld [tilespmem:s24+$0x5080]  }
0x135: {  	v1 =	vadd.f32 v4, v1  }
0x136: {  	v4 =	vld [tilespmem:s24+$0x5100]  }
0x137: {  	v1 =	vadd.f32 v2, v1  }
0x138: {  	v2 =	vld [tilespmem:s24+$0x5180]  }
0x139: {  	v1 =	vadd.f32 v3, v1  }
0x13a: {  	v3 =	vld [tilespmem:s24+$0x5200]  }
0x13b: {  	v1 =	vadd.f32 v4, v1  }
0x13c: {  	v4 =	vld [tilespmem:s24+$0x5280]  }
0x13d: {  	v1 =	vadd.f32 v2, v1  }
0x13e: {  	v2 =	vld [tilespmem:s24+$0x5300]  }
0x13f: {  	v1 =	vadd.f32 v3, v1  }
0x140: {  	v3 =	vld [tilespmem:s24+$0x5380]  }
0x141: {  	v1 =	vadd.f32 v4, v1  }
0x142: {  	s23 =	simm.s32 $0x10;
	v4 =	vld [tilespmem:s24+$0x5400]  }
0x143: {  	v5 =	vld [tilespmem:s23+$0x4E00];
	v1 =	vadd.f32 v2, v1  }
0x144: {  	v2 =	vld [tilespmem:s24+$0x5480]  }
0x145: {  	v6 =	vld [tilespmem:s23+$0x4E80];
	v1 =	vadd.f32 v3, v1  }
0x146: {  	v3 =	vld [tilespmem:s24+$0x5500]  }
0x147: {  	v7 =	vld [tilespmem:s23+$0x4F00];
	v1 =	vadd.f32 v4, v1  }
0x148: {  	v4 =	vld [tilespmem:s24+$0x5580]  }
0x149: {  	v8 =	vld [tilespmem:s23+$0x4F80];
	v5 =	vadd.f32 v5, v0;
	v1 =	vadd.f32 v2, v1  }
0x14a: {  	v2 =	vld [tilespmem:s24+$0x5600]  }
0x14b: {  	v5 =	vadd.f32 v6, v5;
	v6 =	vld [tilespmem:s23+$0x5000];
	v1 =	vadd.f32 v3, v1  }
0x14c: {  	v3 =	vld [tilespmem:s24+$0x5680]  }
0x14d: {  	v5 =	vadd.f32 v7, v5;
	v7 =	vld [tilespmem:s23+$0x5080];
	v1 =	vadd.f32 v4, v1  }
0x14e: {  	v4 =	vld [tilespmem:s24+$0x5700]  }
0x14f: {  	v5 =	vadd.f32 v8, v5;
	v8 =	vld [tilespmem:s23+$0x5100];
	v1 =	vadd.f32 v2, v1  }
0x150: {  	v2 =	vld [tilespmem:s24+$0x5780]  }
0x151: {  	v5 =	vadd.f32 v6, v5;
	v6 =	vld [tilespmem:s23+$0x5180];
	v1 =	vadd.f32 v3, v1  }
0x152: {  	v3 =	vld [tilespmem:s24+$0x5800]  }
0x153: {  	v5 =	vadd.f32 v7, v5;
	v7 =	vld [tilespmem:s23+$0x5200];
	v1 =	vadd.f32 v4, v1  }
0x154: {  	v4 =	vld [tilespmem:s24+$0x5880]  }
0x155: {  	v5 =	vadd.f32 v8, v5;
	v8 =	vld [tilespmem:s23+$0x5280];
	v1 =	vadd.f32 v2, v1  }
0x156: {  	v2 =	vld [tilespmem:s24+$0x5900]  }
0x157: {  	v63 =	vld [tilespmem:s24+$0x5980];
	v5 =	vadd.f32 v6, v5;
	v1 =	vadd.f32 v3, v1  }
0x158: {  	v3 =	vld [tilespmem:s23+$0x5300]  }
0x159: {  	v5 =	vadd.f32 v7, v5;
	v6 =	vadd.f32 v4, v1;
	v1 =	vld [tilespmem:s24+$0x5A00]  }
0x15a: {  	v4 =	vld [tilespmem:s23+$0x5380]  }
0x15b: {  	v7 =	vadd.f32 v8, v5;
	v5 =	vld [tilespmem:s23+$0x5400];
	v8 =	vadd.f32 v2, v6  }
0x15c: {  	v2 =	vld [tilespmem:s24+$0x5A80]  }
0x15d: {  	s26 =	simm.s32 $0xC0;
	s25 =	simm.s32 $0x20;
	v6 =	vadd.f32 v3, v7;
	v3 =	vld [tilespmem:s23+$0x5480];
	v7 =	vadd.f32 v63, v8  }
.LBB2_6:
0x15e: {  	p0 =	sne.s32 s26, $0x1C0;
	v8 =	vld [tilespmem:s25+$0x4E00]  }
0x15f: {  	v4 =	vadd.f32 v4, v6;
	v6 =	vld [tilespmem:s23+$0x5500];
	v1 =	vadd.f32 v1, v7  }
0x160: {  	v7 =	vld [tilespmem:s25+$0x4E80]  }
0x161: {  	v4 =	vadd.f32 v5, v4;
	v5 =	vld [tilespmem:s23+$0x5580];
	v1 =	vadd.f32 v2, v1  }
0x162: {  	v2 =	vld [tilespmem:s25+$0x4F00]  }
0x163: {  	v8 =	vadd.f32 v8, v0;
	v3 =	vadd.f32 v3, v4;
	v4 =	vld [tilespmem:s23+$0x5600];
	[tilespmem:s24+$0x6900] =	vst v1;
	s24 =	smov.u32 s23;
	s23 =	smov.u32 s25  }
0x164: {  	v1 =	vld [tilespmem:s23+$0x4F80]  }
0x165: {  	v7 =	vadd.f32 v7, v8;
	v3 =	vadd.f32 v6, v3;
	v6 =	vld [tilespmem:s24+$0x5680]  }
0x166: {  	v8 =	vld [tilespmem:s23+$0x5000]  }
0x167: {  	v2 =	vadd.f32 v2, v7;
	v3 =	vadd.f32 v5, v3;
	v5 =	vld [tilespmem:s24+$0x5700]  }
0x168: {  	v7 =	vld [tilespmem:s23+$0x5080]  }
0x169: {  	v1 =	vadd.f32 v1, v2;
	v2 =	vadd.f32 v4, v3;
	v3 =	vld [tilespmem:s24+$0x5780]  }
0x16a: {  	v4 =	vld [tilespmem:s23+$0x5100]  }
0x16b: {  	v1 =	vadd.f32 v8, v1;
	v2 =	vadd.f32 v6, v2;
	v6 =	vld [tilespmem:s24+$0x5800]  }
0x16c: {  	v8 =	vld [tilespmem:s23+$0x5180]  }
0x16d: {  	v1 =	vadd.f32 v7, v1;
	v2 =	vadd.f32 v5, v2;
	v5 =	vld [tilespmem:s24+$0x5880]  }
0x16e: {  	v7 =	vld [tilespmem:s23+$0x5200]  }
0x16f: {  	v1 =	vadd.f32 v4, v1;
	v2 =	vadd.f32 v3, v2;
	v3 =	vld [tilespmem:s24+$0x5900]  }
0x170: {  	v9 =	vld [tilespmem:s23+$0x5280]  }
0x171: {  	v1 =	vadd.f32 v8, v1;
	v2 =	vadd.f32 v6, v2;
	v8 =	vld [tilespmem:s24+$0x5980]  }
0x172: {  	v6 =	vld [tilespmem:s23+$0x5300]  }
.Ltmp2:
0x173: {  	v7 =	vadd.f32 v7, v1;
	v2 =	vadd.f32 v5, v2;
	v1 =	vld [tilespmem:s24+$0x5A00];
	(pc) =	sbr.rel @p0 .LBB2_6-.Ltmp2, $4  }
0x174: {  	v4 =	vld [tilespmem:s23+$0x5380]  }
0x175: {  	v7 =	vadd.f32 v9, v7;
	v9 =	vadd.f32 v3, v2;
	v2 =	vld [tilespmem:s24+$0x5A80]  }
0x176: {  	v5 =	vld [tilespmem:s23+$0x5400]  }
0x177: {  	s25 =	sshra.s32 s26, $0x2;
	s26 =	sadd.s32 $0x40, s26;
	v6 =	vadd.f32 v6, v7;
	v3 =	vld [tilespmem:s23+$0x5480];
	v7 =	vadd.f32 v8, v9  }
0x178: {  	v8 =	vld [tilespmem:s25+$0x4E00]  }
0x179: {  	v9 =	vld [tilespmem:s23+$0x5500];
	v1 =	vadd.f32 v1, v7  }
0x17a: {  	v7 =	vld [tilespmem:s25+$0x4E80]  }
0x17b: {  	v10 =	vld [tilespmem:s23+$0x5580];
	v4 =	vadd.f32 v4, v6;
	v1 =	vadd.f32 v2, v1  }
0x17c: {  	v2 =	vld [tilespmem:s25+$0x4F00]  }
0x17d: {  	v6 =	vld [tilespmem:s23+$0x5600];
	v4 =	vadd.f32 v5, v4;
	v5 =	vadd.f32 v8, v0;
	[tilespmem:s24+$0x6900] =	vst v1  }
0x17e: {  	v1 =	vld [tilespmem:s25+$0x4F80]  }
0x17f: {  	v3 =	vadd.f32 v3, v4;
	v4 =	vadd.f32 v7, v5  }
0x180: {  	v5 =	vld [tilespmem:s25+$0x5000]  }
0x181: {  	v3 =	vadd.f32 v9, v3;
	v7 =	vld [tilespmem:s23+$0x5680];
	v2 =	vadd.f32 v2, v4  }
0x182: {  	v4 =	vld [tilespmem:s25+$0x5080]  }
0x183: {  	v8 =	vld [tilespmem:s23+$0x5700];
	v3 =	vadd.f32 v10, v3;
	v1 =	vadd.f32 v1, v2  }
0x184: {  	v2 =	vld [tilespmem:s25+$0x5100]  }
0x185: {  	v3 =	vadd.f32 v6, v3;
	v6 =	vld [tilespmem:s23+$0x5780];
	v1 =	vadd.f32 v5, v1  }
0x186: {  	v5 =	vld [tilespmem:s25+$0x5180]  }
0x187: {  	v3 =	vadd.f32 v7, v3;
	v7 =	vld [tilespmem:s23+$0x5800];
	v1 =	vadd.f32 v4, v1  }
0x188: {  	v4 =	vld [tilespmem:s25+$0x5200]  }
0x189: {  	v3 =	vadd.f32 v8, v3;
	v8 =	vld [tilespmem:s23+$0x5880];
	v1 =	vadd.f32 v2, v1  }
0x18a: {  	v2 =	vld [tilespmem:s25+$0x5280]  }
0x18b: {  	v3 =	vadd.f32 v6, v3;
	v6 =	vld [tilespmem:s23+$0x5900];
	v1 =	vadd.f32 v5, v1  }
0x18c: {  	v5 =	vld [tilespmem:s25+$0x5300]  }
0x18d: {  	v3 =	vadd.f32 v7, v3;
	v7 =	vld [tilespmem:s23+$0x5980];
	v1 =	vadd.f32 v4, v1  }
0x18e: {  	v4 =	vld [tilespmem:s25+$0x5380]  }
0x18f: {  	v3 =	vadd.f32 v8, v3;
	v8 =	vld [tilespmem:s23+$0x5A00];
	v1 =	vadd.f32 v2, v1  }
0x190: {  	v2 =	vld [tilespmem:s25+$0x5400]  }
0x191: {  	v3 =	vadd.f32 v6, v3;
	v6 =	vld [tilespmem:s23+$0x5A80];
	v1 =	vadd.f32 v5, v1  }
0x192: {  	v5 =	vld [tilespmem:s25+$0x5480]  }
0x193: {  	v3 =	vadd.f32 v7, v3;
	v1 =	vadd.f32 v4, v1  }
0x194: {  	v4 =	vld [tilespmem:s25+$0x5500]  }
0x195: {  	v3 =	vadd.f32 v8, v3;
	v1 =	vadd.f32 v2, v1  }
0x196: {  	v2 =	vld [tilespmem:s25+$0x5580]  }
0x197: {  	v3 =	vadd.f32 v6, v3;
	v1 =	vadd.f32 v5, v1  }
0x198: {  	v5 =	vld [tilespmem:s25+$0x5600]  }
0x199: {  	[tilespmem:s23+$0x6900] =	vst v3;
	v1 =	vadd.f32 v4, v1  }
0x19a: {  	v3 =	vld [tilespmem:s25+$0x5680]  }
0x19b: {  	v1 =	vadd.f32 v2, v1  }
0x19c: {  	v2 =	vld [tilespmem:s25+$0x5700]  }
0x19d: {  	v1 =	vadd.f32 v5, v1  }
0x19e: {  	v4 =	vld [tilespmem:s25+$0x5780]  }
0x19f: {  	v1 =	vadd.f32 v3, v1  }
0x1a0: {  	v3 =	vld [tilespmem:s25+$0x5800]  }
0x1a1: {  	v1 =	vadd.f32 v2, v1  }
0x1a2: {  	v2 =	vld [tilespmem:s25+$0x5880]  }
0x1a3: {  	v1 =	vadd.f32 v4, v1  }
0x1a4: {  	v4 =	vld [tilespmem:s25+$0x5900]  }
0x1a5: {  	v1 =	vadd.f32 v3, v1  }
0x1a6: {  	v3 =	vld [tilespmem:s25+$0x5980]  }
0x1a7: {  	v1 =	vadd.f32 v2, v1  }
0x1a8: {  	v2 =	vld [tilespmem:s25+$0x5A00]  }
0x1a9: {  	v1 =	vadd.f32 v4, v1  }
0x1aa: {  	v4 =	vld [tilespmem:s25+$0x5A80]  }
0x1ab: {  	v1 =	vadd.f32 v3, v1;
	_ =	sdelay $0x1  }
0x1ac: {  	v1 =	vadd.f32 v2, v1;
	_ =	sdelay $0x1  }
0x1ad: {  	v1 =	vadd.f32 v4, v1;
	_ =	sdelay $0x1  }
0x1ae: {  	[tilespmem:s25+$0x6900] =	vst v1  }
0x1af: {  	_ =	swait.ge [sflag:s20], $0xD00  }
0x1b0: {  	[sflag:s20] =	ssyncset.done $0x0  }
0x1b1: {  	s24 =	simm.s32 $0x0;
	[sflag:s20] =	ssyncadd.s32 $0xFFFFF300  }
0x1b2: {  	v1 =	vld [tilespmem:s24+$0x5B00];
	_ =	sdelay $0x1  }
0x1b3: {  	v2 =	vld [tilespmem:s24+$0x5B80];
	_ =	sdelay $0x1  }
0x1b4: {  	v3 =	vld [tilespmem:s24+$0x5C00]  }
0x1b5: {  	v1 =	vadd.f32 v1, v0  }
0x1b6: {  	v4 =	vld [tilespmem:s24+$0x5C80]  }
0x1b7: {  	v1 =	vadd.f32 v2, v1  }
0x1b8: {  	v2 =	vld [tilespmem:s24+$0x5D00]  }
0x1b9: {  	v1 =	vadd.f32 v3, v1  }
0x1ba: {  	v3 =	vld [tilespmem:s24+$0x5D80]  }
0x1bb: {  	v1 =	vadd.f32 v4, v1  }
0x1bc: {  	v4 =	vld [tilespmem:s24+$0x5E00]  }
0x1bd: {  	v1 =	vadd.f32 v2, v1  }
0x1be: {  	v2 =	vld [tilespmem:s24+$0x5E80]  }
0x1bf: {  	v1 =	vadd.f32 v3, v1  }
0x1c0: {  	v3 =	vld [tilespmem:s24+$0x5F00]  }
0x1c1: {  	v1 =	vadd.f32 v4, v1  }
0x1c2: {  	v4 =	vld [tilespmem:s24+$0x5F80]  }
0x1c3: {  	v1 =	vadd.f32 v2, v1  }
0x1c4: {  	v2 =	vld [tilespmem:s24+$0x6000]  }
0x1c5: {  	v1 =	vadd.f32 v3, v1  }
0x1c6: {  	v3 =	vld [tilespmem:s24+$0x6080]  }
0x1c7: {  	v1 =	vadd.f32 v4, v1  }
0x1c8: {  	s23 =	simm.s32 $0x10;
	v4 =	vld [tilespmem:s24+$0x6100]  }
0x1c9: {  	v5 =	vld [tilespmem:s23+$0x5B00];
	v1 =	vadd.f32 v2, v1  }
0x1ca: {  	v2 =	vld [tilespmem:s24+$0x6180]  }
0x1cb: {  	v6 =	vld [tilespmem:s23+$0x5B80];
	v1 =	vadd.f32 v3, v1  }
0x1cc: {  	v3 =	vld [tilespmem:s24+$0x6200]  }
0x1cd: {  	v7 =	vld [tilespmem:s23+$0x5C00];
	v1 =	vadd.f32 v4, v1  }
0x1ce: {  	v4 =	vld [tilespmem:s24+$0x6280]  }
0x1cf: {  	v8 =	vld [tilespmem:s23+$0x5C80];
	v5 =	vadd.f32 v5, v0;
	v1 =	vadd.f32 v2, v1  }
0x1d0: {  	v2 =	vld [tilespmem:s24+$0x6300]  }
0x1d1: {  	v5 =	vadd.f32 v6, v5;
	v6 =	vld [tilespmem:s23+$0x5D00];
	v1 =	vadd.f32 v3, v1  }
0x1d2: {  	v3 =	vld [tilespmem:s24+$0x6380]  }
0x1d3: {  	v5 =	vadd.f32 v7, v5;
	v7 =	vld [tilespmem:s23+$0x5D80];
	v1 =	vadd.f32 v4, v1  }
0x1d4: {  	v4 =	vld [tilespmem:s24+$0x6400]  }
0x1d5: {  	v5 =	vadd.f32 v8, v5;
	v8 =	vld [tilespmem:s23+$0x5E00];
	v1 =	vadd.f32 v2, v1  }
0x1d6: {  	v2 =	vld [tilespmem:s24+$0x6480]  }
0x1d7: {  	v5 =	vadd.f32 v6, v5;
	v6 =	vld [tilespmem:s23+$0x5E80];
	v1 =	vadd.f32 v3, v1  }
0x1d8: {  	v3 =	vld [tilespmem:s24+$0x6500]  }
0x1d9: {  	v5 =	vadd.f32 v7, v5;
	v7 =	vld [tilespmem:s23+$0x5F00];
	v1 =	vadd.f32 v4, v1  }
0x1da: {  	v4 =	vld [tilespmem:s24+$0x6580]  }
0x1db: {  	v5 =	vadd.f32 v8, v5;
	v8 =	vld [tilespmem:s23+$0x5F80];
	v1 =	vadd.f32 v2, v1  }
0x1dc: {  	v2 =	vld [tilespmem:s24+$0x6600]  }
0x1dd: {  	v63 =	vld [tilespmem:s24+$0x6680];
	v5 =	vadd.f32 v6, v5;
	v1 =	vadd.f32 v3, v1  }
0x1de: {  	v3 =	vld [tilespmem:s23+$0x6000]  }
0x1df: {  	v5 =	vadd.f32 v7, v5;
	v6 =	vadd.f32 v4, v1;
	v1 =	vld [tilespmem:s24+$0x6700]  }
0x1e0: {  	v4 =	vld [tilespmem:s23+$0x6080]  }
0x1e1: {  	v7 =	vadd.f32 v8, v5;
	v5 =	vld [tilespmem:s23+$0x6100];
	v8 =	vadd.f32 v2, v6  }
0x1e2: {  	v2 =	vld [tilespmem:s24+$0x6780]  }
0x1e3: {  	s26 =	simm.s32 $0xC0;
	s25 =	simm.s32 $0x20;
	v6 =	vadd.f32 v3, v7;
	v3 =	vld [tilespmem:s23+$0x6180];
	v7 =	vadd.f32 v63, v8  }
.LBB2_8:
0x1e4: {  	p0 =	sne.s32 s26, $0x1C0;
	v8 =	vld [tilespmem:s25+$0x5B00]  }
0x1e5: {  	v4 =	vadd.f32 v4, v6;
	v6 =	vld [tilespmem:s23+$0x6200];
	v1 =	vadd.f32 v1, v7  }
0x1e6: {  	v7 =	vld [tilespmem:s25+$0x5B80]  }
0x1e7: {  	v4 =	vadd.f32 v5, v4;
	v5 =	vld [tilespmem:s23+$0x6280];
	v1 =	vadd.f32 v2, v1  }
0x1e8: {  	v2 =	vld [tilespmem:s25+$0x5C00]  }
0x1e9: {  	v8 =	vadd.f32 v8, v0;
	v3 =	vadd.f32 v3, v4;
	v4 =	vld [tilespmem:s23+$0x6300];
	[tilespmem:s24+$0x6980] =	vst v1;
	s24 =	smov.u32 s23;
	s23 =	smov.u32 s25  }
0x1ea: {  	v1 =	vld [tilespmem:s23+$0x5C80]  }
0x1eb: {  	v7 =	vadd.f32 v7, v8;
	v3 =	vadd.f32 v6, v3;
	v6 =	vld [tilespmem:s24+$0x6380]  }
0x1ec: {  	v8 =	vld [tilespmem:s23+$0x5D00]  }
0x1ed: {  	v2 =	vadd.f32 v2, v7;
	v3 =	vadd.f32 v5, v3;
	v5 =	vld [tilespmem:s24+$0x6400]  }
0x1ee: {  	v7 =	vld [tilespmem:s23+$0x5D80]  }
0x1ef: {  	v1 =	vadd.f32 v1, v2;
	v2 =	vadd.f32 v4, v3;
	v3 =	vld [tilespmem:s24+$0x6480]  }
0x1f0: {  	v4 =	vld [tilespmem:s23+$0x5E00]  }
0x1f1: {  	v1 =	vadd.f32 v8, v1;
	v2 =	vadd.f32 v6, v2;
	v6 =	vld [tilespmem:s24+$0x6500]  }
0x1f2: {  	v8 =	vld [tilespmem:s23+$0x5E80]  }
0x1f3: {  	v1 =	vadd.f32 v7, v1;
	v2 =	vadd.f32 v5, v2;
	v5 =	vld [tilespmem:s24+$0x6580]  }
0x1f4: {  	v7 =	vld [tilespmem:s23+$0x5F00]  }
0x1f5: {  	v1 =	vadd.f32 v4, v1;
	v2 =	vadd.f32 v3, v2;
	v3 =	vld [tilespmem:s24+$0x6600]  }
0x1f6: {  	v9 =	vld [tilespmem:s23+$0x5F80]  }
0x1f7: {  	v1 =	vadd.f32 v8, v1;
	v2 =	vadd.f32 v6, v2;
	v8 =	vld [tilespmem:s24+$0x6680]  }
0x1f8: {  	v6 =	vld [tilespmem:s23+$0x6000]  }
.Ltmp3:
0x1f9: {  	v7 =	vadd.f32 v7, v1;
	v2 =	vadd.f32 v5, v2;
	v1 =	vld [tilespmem:s24+$0x6700];
	(pc) =	sbr.rel @p0 .LBB2_8-.Ltmp3, $4  }
0x1fa: {  	v4 =	vld [tilespmem:s23+$0x6080]  }
0x1fb: {  	v7 =	vadd.f32 v9, v7;
	v9 =	vadd.f32 v3, v2;
	v2 =	vld [tilespmem:s24+$0x6780]  }
0x1fc: {  	v5 =	vld [tilespmem:s23+$0x6100]  }
0x1fd: {  	s25 =	sshra.s32 s26, $0x2;
	s26 =	sadd.s32 $0x40, s26;
	v6 =	vadd.f32 v6, v7;
	v3 =	vld [tilespmem:s23+$0x6180];
	v7 =	vadd.f32 v8, v9  }
0x1fe: {  	v8 =	vld [tilespmem:s25+$0x5B00]  }
0x1ff: {  	v9 =	vld [tilespmem:s23+$0x6200];
	v1 =	vadd.f32 v1, v7  }
0x200: {  	v31 =	vld [tilespmem:s25+$0x5B80]  }
0x201: {  	v10 =	vld [tilespmem:s23+$0x6280];
	v4 =	vadd.f32 v4, v6;
	v1 =	vadd.f32 v2, v1  }
0x202: {  	v32 =	vld [tilespmem:s25+$0x5C00]  }
0x203: {  	v33 =	vld [tilespmem:s23+$0x6300];
	v4 =	vadd.f32 v5, v4;
	v0 =	vadd.f32 v8, v0;
	[tilespmem:s24+$0x6980] =	vst v1  }
0x204: {  	v1 =	vld [tilespmem:s25+$0x5C80]  }
0x205: {  	v3 =	vadd.f32 v3, v4;
	v0 =	vadd.f32 v31, v0  }
0x206: {  	v34 =	vld [tilespmem:s25+$0x5D00]  }
0x207: {  	v35 =	vld [tilespmem:s23+$0x6380];
	v3 =	vadd.f32 v9, v3;
	v0 =	vadd.f32 v32, v0  }
0x208: {  	v36 =	vld [tilespmem:s25+$0x5D80]  }
0x209: {  	v37 =	vld [tilespmem:s23+$0x6400];
	v3 =	vadd.f32 v10, v3;
	v0 =	vadd.f32 v1, v0  }
0x20a: {  	v38 =	vld [tilespmem:s25+$0x5E00]  }
0x20b: {  	v39 =	vld [tilespmem:s23+$0x6480];
	v3 =	vadd.f32 v33, v3;
	v0 =	vadd.f32 v34, v0  }
0x20c: {  	v40 =	vld [tilespmem:s25+$0x5E80]  }
0x20d: {  	v41 =	vld [tilespmem:s23+$0x6500];
	v3 =	vadd.f32 v35, v3;
	v0 =	vadd.f32 v36, v0  }
0x20e: {  	v42 =	vld [tilespmem:s25+$0x5F00]  }
0x20f: {  	v43 =	vld [tilespmem:s23+$0x6580];
	v3 =	vadd.f32 v37, v3;
	v0 =	vadd.f32 v38, v0  }
0x210: {  	v44 =	vld [tilespmem:s25+$0x5F80]  }
0x211: {  	v45 =	vld [tilespmem:s23+$0x6600];
	v3 =	vadd.f32 v39, v3;
	v0 =	vadd.f32 v40, v0  }
0x212: {  	v46 =	vld [tilespmem:s25+$0x6000]  }
0x213: {  	v47 =	vld [tilespmem:s23+$0x6680];
	v3 =	vadd.f32 v41, v3;
	v0 =	vadd.f32 v42, v0  }
0x214: {  	v48 =	vld [tilespmem:s25+$0x6080]  }
0x215: {  	v49 =	vld [tilespmem:s23+$0x6700];
	v3 =	vadd.f32 v43, v3;
	v0 =	vadd.f32 v44, v0  }
0x216: {  	v50 =	vld [tilespmem:s25+$0x6100]  }
0x217: {  	v51 =	vld [tilespmem:s23+$0x6780];
	v3 =	vadd.f32 v45, v3;
	v0 =	vadd.f32 v46, v0  }
0x218: {  	v52 =	vld [tilespmem:s25+$0x6180]  }
0x219: {  	v3 =	vadd.f32 v47, v3;
	v0 =	vadd.f32 v48, v0  }
0x21a: {  	v53 =	vld [tilespmem:s25+$0x6200]  }
0x21b: {  	v3 =	vadd.f32 v49, v3;
	v0 =	vadd.f32 v50, v0  }
0x21c: {  	v54 =	vld [tilespmem:s25+$0x6280]  }
0x21d: {  	v3 =	vadd.f32 v51, v3;
	v0 =	vadd.f32 v52, v0  }
0x21e: {  	v55 =	vld [tilespmem:s25+$0x6300]  }
0x21f: {  	[tilespmem:s23+$0x6980] =	vst v3;
	v0 =	vadd.f32 v53, v0  }
0x220: {  	v56 =	vld [tilespmem:s25+$0x6380]  }
0x221: {  	v0 =	vadd.f32 v54, v0  }
0x222: {  	v57 =	vld [tilespmem:s25+$0x6400]  }
0x223: {  	v0 =	vadd.f32 v55, v0  }
0x224: {  	v3 =	vld [tilespmem:s25+$0x6480]  }
0x225: {  	v0 =	vadd.f32 v56, v0  }
0x226: {  	v58 =	vld [tilespmem:s25+$0x6500]  }
0x227: {  	v0 =	vadd.f32 v57, v0  }
0x228: {  	v59 =	vld [tilespmem:s25+$0x6580]  }
0x229: {  	v0 =	vadd.f32 v3, v0  }
0x22a: {  	v60 =	vld [tilespmem:s25+$0x6600]  }
0x22b: {  	v0 =	vadd.f32 v58, v0  }
0x22c: {  	v61 =	vld [tilespmem:s25+$0x6680]  }
0x22d: {  	v0 =	vadd.f32 v59, v0  }
0x22e: {  	v62 =	vld [tilespmem:s25+$0x6700]  }
0x22f: {  	v0 =	vadd.f32 v60, v0  }
0x230: {  	v63 =	vld [tilespmem:s25+$0x6780]  }
0x231: {  	v0 =	vadd.f32 v61, v0;
	_ =	sdelay $0x1  }
0x232: {  	v0 =	vadd.f32 v62, v0;
	_ =	sdelay $0x1  }
0x233: {  	s22 =	sadd.s32 $0x1, s22;
	v0 =	vadd.f32 v63, v0  }
0x234: {  	p0 =	sne.s32 s22, s7  }
.Ltmp4:
0x235: {  	[tilespmem:s25+$0x6980] =	vst v0;
	(pc) =	sbr.rel @p0 .LBB2_1-.Ltmp4, $4  }
0x236: {  	[hbm4b:s6+s2] =	stream.linear.scatter [tilespmem:s21], [sflag:$0x5], $0x200, $0x38;
	[tilespmem:$0x6A10] =	vst v63  }
0x237: {  	_ =	swait.ge [sflag:s8], $0x200  }
0x238: {  	[sflag:s8] =	ssyncset.done $0x0  }
0x239: {  	[sflag:s8] =	ssyncadd.s32 $0xFFFFFE00  }
0x23a: {  	_ =	sfence.sel $0x180000  }
0x23b: {  	[bflag:$0x0] =	sbarrier.arrive $0xFFFF  }
0x23c: {  	p0 =	sne.s32 s0, $0x0;
	_ =	strace $0x90000047  }
0x23d: {  	s0 =	sadd.s32 @!p0 $0x100000, s1;
	[bflag:$0x2] =	sbarrier.arrive $0xFFFF  }
0x23e: {  	[sflag:s0] =	ssyncadd.tile.s32 @!p0 $0x1;
	_ =	shalt  }
.Lfunc_end2:
_tile_overlayer_lowered:
.L_overlay_start_2:
0x23f: {  	(tag) =	ssettag $0x2  }
0x240: {  	s0 =	rddreg [dreg:$0x0];
	s2 =	stileid.u32  }
0x241: {  	s1 =	rddreg [dreg:$0x1];
	p0 =	sne.s32 s2, $0x0  }
0x242: {  	s3 =	rddreg [dreg:$0x2];
	[bflag:$0x3] =	sbarrier.arrive $0xFFFF;
	s2 =	simm.s32 @!p0 $0x1C05  }
0x243: {  	[timem:s3], [sflag:s2] =	dma.local @!p0 [hbm:s0], s1  }
0x244: {  	s0 =	simm.s32 @!p0 $0x5  }
0x245: {  	_ =	swait.ge @!p0 [sflag:s0], s1  }
0x246: {  	s1 =	ssub.s32 @!p0 $0x0, s1;
	[sflag:s0] =	ssyncset.done @!p0 $0x0  }
0x247: {  	[sflag:s0] =	ssyncadd.s32 @!p0 s1  }
0x248: {  	[bflag:$0x3] =	sbarrier.arrive $0xFFFF  }
0x249: {  	_ =	shalt  }

</sc_bundles>
